<compile_context>
chip_gen: v7x
topology: tpu7x:2x2x1
jax: 0.10.2.dev20260603
libtpu: 0.0.44.dev20260713+nightly
codegen_flags: <defaults>
</compile_context>

<pallas_src>
import functools

import jax
import jax.numpy as jnp
from jax import lax
from jax.experimental import pallas as pl
from jax.experimental.pallas import tpu as pltpu
from jax.experimental.pallas import tpu_sc as plsc

S = 16384
E = 64
NUM_ROWS = 1000

NC = 2
NS = 16
NW = NC * NS
TOK_PER_W = S // NW
CHUNK = 128
NCH = TOK_PER_W // CHUNK
OUT_W = 128
FIN_B = 2048
K_W = FIN_B // TOK_PER_W


TBL_PAD = 3072


def _project_body(entT_ref, relT_ref, w_ref, b_ref, tbl_ref):
    entT = entT_ref[...]
    relT = relT_ref[...]
    w = w_ref[...]
    dn = (((0,), (1,)), ((), ()))
    tbl_ref[0:NUM_ROWS, :] = lax.dot_general(
        entT, w[:, 0:E], dn, preferred_element_type=jnp.float32)
    tbl_ref[NUM_ROWS:2 * NUM_ROWS, :] = lax.dot_general(
        relT, w[:, E:2 * E], dn, preferred_element_type=jnp.float32) + b_ref[...]
    tbl_ref[2 * NUM_ROWS:3 * NUM_ROWS, :] = lax.dot_general(
        entT, w[:, 2 * E:3 * E], dn, preferred_element_type=jnp.float32)
    tbl_ref[3 * NUM_ROWS:TBL_PAD, :] = jnp.zeros(
        (TBL_PAD - 3 * NUM_ROWS, E), jnp.float32)


def _project_tables(entity_emb, relation_emb, W_tok, b_tok):
    return pl.pallas_call(
        _project_body,
        out_shape=jax.ShapeDtypeStruct((TBL_PAD, E), jnp.float32),
    )(entity_emb.T, relation_emb.T, W_tok, b_tok.reshape(1, E))


def _sc_body(msT_hbm, tbl_hbm, out_hbm, ibuf, gh, gr, gt, tbl_sp,
             semg, semw):
    sid = lax.axis_index("s")
    wid = sid * NC + lax.axis_index("c")

    trow = pl.multiple_of(sid * (TBL_PAD // NS), TBL_PAD // NS)
    pltpu.sync_copy(tbl_hbm.at[pl.ds(trow, TBL_PAD // NS), :],
                    tbl_sp.at[pl.ds(trow, TBL_PAD // NS), :])
    base = pl.multiple_of(wid * TOK_PER_W, TOK_PER_W)
    row0 = pl.multiple_of(
        (wid // (2 * K_W)) * FIN_B + (wid % K_W) * TOK_PER_W, TOK_PER_W)
    col0 = ((wid % (2 * K_W)) // K_W) * E

    pltpu.sync_copy(msT_hbm.at[:, pl.ds(base, TOK_PER_W)], ibuf)
    for g in range(TOK_PER_W // 16):
        sl = pl.ds(g * 16, 16)
        ibuf[1, sl] = ibuf[1, sl] + NUM_ROWS
        ibuf[2, sl] = ibuf[2, sl] + 2 * NUM_ROWS

    plsc.subcore_barrier()

    def start_gathers(c):
        sl = pl.ds(c * CHUNK, CHUNK)
        return (pltpu.async_copy(tbl_sp.at[ibuf.at[0, sl]], gh.at[c], semg),
                pltpu.async_copy(tbl_sp.at[ibuf.at[1, sl]], gr.at[c], semg),
                pltpu.async_copy(tbl_sp.at[ibuf.at[2, sl]], gt.at[c], semg))

    def compute(c):
        def body(i, carry):
            for j in range(E // 16):
                sl = pl.ds(j * 16, 16)
                plsc.addupdate(gh.at[c, i, sl], gr[c, i, sl] + gt[c, i, sl])
            return carry

        lax.fori_loop(0, CHUNK, body, 0)

    pending = [start_gathers(c) for c in range(NCH)]
    wbs = []
    for c in range(NCH):
        for d in pending[c]:
            d.wait()
        compute(c)
        wbs.append(pltpu.async_copy(
            gh.at[c],
            out_hbm.at[pl.ds(row0 + c * CHUNK, CHUNK), pl.ds(col0, E)],
            semw))
    for w in wbs:
        w.wait()


_sc_gather = functools.partial(
    pl.kernel,
    out_type=jax.ShapeDtypeStruct((S * E // OUT_W, OUT_W), jnp.float32),
    mesh=plsc.VectorSubcoreMesh(core_axis_name="c", subcore_axis_name="s"),
    scratch_types=[
        pltpu.VMEM((3, TOK_PER_W), jnp.int32),
        pltpu.VMEM((NCH, CHUNK, E), jnp.float32),
        pltpu.VMEM((NCH, CHUNK, E), jnp.float32),
        pltpu.VMEM((NCH, CHUNK, E), jnp.float32),
        pltpu.VMEM_SHARED((TBL_PAD, E), jnp.float32),
        pltpu.SemaphoreType.DMA,
        pltpu.SemaphoreType.DMA,
    ],
    compiler_params=pltpu.CompilerParams(use_tc_tiling_on_sc=False,
                                         needs_layout_passes=False,
                                         skip_device_barrier=True),
)(_sc_body)


def _finish_body(in_ref, out_ref):
    t = in_ref[...].T
    out_ref[:, 0:FIN_B] = t[0:E, :]
    out_ref[:, FIN_B:2 * FIN_B] = t[E:OUT_W, :]


def _finish(packed):
    grid = (S * E // OUT_W) // FIN_B
    return pl.pallas_call(
        _finish_body,
        grid=(grid,),
        in_specs=[pl.BlockSpec((FIN_B, OUT_W), lambda g: (g, 0))],
        out_specs=pl.BlockSpec((E, 2 * FIN_B), lambda g: (0, g)),
        out_shape=jax.ShapeDtypeStruct((E, S), jnp.float32),
    )(packed)


def kernel(memory_state, entity_emb, relation_emb, W_tok, b_tok):
    tbl = _project_tables(entity_emb, relation_emb, W_tok, b_tok)
    packed = _sc_gather(memory_state.T, tbl)
    return _finish(packed).T

# --- scband reference (transcript-rebuilt; emitter-appended) ---
"""Pipeline reference for scband-simple-seq-tokenizer-31696858645134 (READ-ONLY COPY).

The authoritative reference and input builder live on the scoring server;
editing this copy changes nothing except your own understanding.
"""

import jax, jax.numpy as jnp
import numpy as np

S = 16384
NUM_ENT = 1000
NUM_REL = 1000
EMB = 64
IDX_MAX = 990


def _xavier_uniform(key, shape):
    fan_out, fan_in = shape[0], shape[1]
    bound = (6.0 / (fan_in + fan_out)) ** 0.5
    return jax.random.uniform(key, shape, jnp.float32, -bound, bound)


def setup_inputs(seed: int = 0) -> dict:
    key = jax.random.key(seed)
    k1, k2, k3, k4 = jax.random.split(key, 4)
    memory_state = jax.random.randint(k1, (S, 3), 0, IDX_MAX, dtype=jnp.int32)
    entity_emb = _xavier_uniform(k2, (NUM_ENT, EMB))
    relation_emb = _xavier_uniform(k3, (NUM_REL, EMB))
    W_tok = _xavier_uniform(k4, (EMB, 3 * EMB))
    b_tok = jnp.zeros((EMB,), jnp.float32)
    return {
        "memory_state": memory_state,
        "entity_emb": entity_emb,
        "relation_emb": relation_emb,
        "W_tok": W_tok,
        "b_tok": b_tok,
    }


def reference(memory_state, entity_emb, relation_emb, W_tok, b_tok):
    # Vectorized, faithful translation of SimpleSeqTokenizer.forward /
    # tokenize_state: for each triple (h, r, t) gather embeddings,
    # concatenate, and apply token_proj (Linear(3E -> E)).
    h = memory_state[:, 0]
    r = memory_state[:, 1]
    t = memory_state[:, 2]
    h_e = jnp.take(entity_emb, h, axis=0)
    r_e = jnp.take(relation_emb, r, axis=0)
    t_e = jnp.take(entity_emb, t, axis=0)
    feat = jnp.concatenate([h_e, r_e, t_e], axis=-1)
    tokens = feat @ W_tok.T + b_tok
    return tokens

if __name__ == "__main__":
    import jax
    _d = setup_inputs()
    print(jax.jit(kernel)(*tuple(_d.values())))

</pallas_src>

<mosaic_0001>
#map = affine_map<(d0, d1) -> (0, 0)>
module attributes {stable_mosaic.version = 14 : i64} {
  func.func @_sc_body(%arg0: i32, %arg1: i32, %arg2: memref<3x16384xi32, #tpu.memory_space<hbm>>, %arg3: memref<3072x64xf32, #tpu.memory_space<hbm>>, %arg4: memref<8192x128xf32, #tpu.memory_space<hbm>>, %arg5: memref<3x512xi32, #tpu.memory_space<vmem>>, %arg6: memref<4x128x64xf32, #tpu.memory_space<vmem>>, %arg7: memref<4x128x64xf32, #tpu.memory_space<vmem>>, %arg8: memref<4x128x64xf32, #tpu.memory_space<vmem>>, %arg9: memref<3072x64xf32, #tpu.memory_space<vmem_shared>>, %arg10: memref<!tpu.dma_semaphore, #tpu.memory_space<semaphore_mem>>, %arg11: memref<!tpu.dma_semaphore, #tpu.memory_space<semaphore_mem>>) attributes {dimension_semantics = [#tpu.dimension_semantics<core_parallel>, #tpu.dimension_semantics<subcore_parallel>], iteration_bounds = array<i64: 2, 16>, scalar_prefetch = 0 : i64, scratch_operands = 7 : i64, tpu.core_type = #tpu.core_type<sc_vector_subcore>, window_params = [{transform_indices = #map}, {transform_indices = #map}, {transform_indices = #map}]} {
    %mul3A = arith.constant 2 : i32
    %mul3A_0 = arith.muli %arg1, %mul3A : i32
    %add3A = arith.addi %mul3A_0, %arg0 : i32
    %mul3A_1 = arith.constant 192 : i32
    %mul3A_2 = arith.muli %arg1, %mul3A_1 : i32
    %multiple_of3A = tpu.assume_multiple %mul3A_2, 192 : i32
    "tpu.region"() ({
      %run_scoped3A = tpu.sem_alloc : memref<!tpu.dma_semaphore, #tpu.memory_space<semaphore_mem>>
      %dma_start3A_1191 = arith.constant 0 : i32
      %dma_start3A_1192 = tpu.memref_slice %arg9[%multiple_of3A, %dma_start3A_1191] : memref<3072x64xf32, #tpu.memory_space<vmem_shared>> -> memref<192x64xf32, #tpu.memory_space<vmem_shared>>
      %dma_start3A_1193 = arith.constant 0 : i32
      %dma_start3A_1194 = tpu.memref_slice %arg3[%multiple_of3A, %dma_start3A_1193] : memref<3072x64xf32, #tpu.memory_space<hbm>> -> memref<192x64xf32, #tpu.memory_space<hbm>>
      tpu.enqueue_dma source(%dma_start3A_1194 : memref<192x64xf32, #tpu.memory_space<hbm>>) target(%dma_start3A_1192 : memref<192x64xf32, #tpu.memory_space<vmem_shared>>) target_semaphore(%run_scoped3A : memref<!tpu.dma_semaphore, #tpu.memory_space<semaphore_mem>>)
      %dma_wait3A_1195 = arith.constant 0 : i32
      %dma_wait3A_1196 = tpu.memref_slice %arg9[%multiple_of3A, %dma_wait3A_1195] : memref<3072x64xf32, #tpu.memory_space<vmem_shared>> -> memref<192x64xf32, #tpu.memory_space<vmem_shared>>
      %dma_wait3A_1197 = arith.constant 0 : i32
      %dma_wait3A_1198 = tpu.memref_slice %arg3[%multiple_of3A, %dma_wait3A_1197] : memref<3072x64xf32, #tpu.memory_space<hbm>> -> memref<192x64xf32, #tpu.memory_space<hbm>>
      tpu.wait_dma2 semaphore(%run_scoped3A : memref<!tpu.dma_semaphore, #tpu.memory_space<semaphore_mem>>) src(%dma_wait3A_1198 : memref<192x64xf32, #tpu.memory_space<hbm>>) dst(%dma_wait3A_1196 : memref<192x64xf32, #tpu.memory_space<vmem_shared>>)
      tpu.yield
    }) : () -> ()
    %mul3A_3 = arith.constant 512 : i32
    %mul3A_4 = arith.muli %add3A, %mul3A_3 : i32
    %multiple_of3A_5 = tpu.assume_multiple %mul3A_4, 512 : i32
    %jit3A = arith.constant 8 : i32
    %div3A = arith.divsi %add3A, %jit3A : i32
    %sign3A = arith.constant 0 : i32
    %sign3A_6 = arith.cmpi sgt, %add3A, %sign3A : i32
    %sign3A_7 = arith.extui %sign3A_6 : i1 to i32
    %sign3A_8 = arith.constant 0 : i32
    %sign3A_9 = arith.cmpi slt, %add3A, %sign3A_8 : i32
    %sign3A_10 = arith.extui %sign3A_9 : i1 to i32
    %sign3A_11 = arith.subi %sign3A_7, %sign3A_10 : i32
    %sign3A_12 = arith.constant 0 : i32
    %sign3A_13 = arith.cmpi sgt, %jit3A, %sign3A_12 : i32
    %sign3A_14 = arith.extui %sign3A_13 : i1 to i32
    %sign3A_15 = arith.constant 0 : i32
    %sign3A_16 = arith.cmpi slt, %jit3A, %sign3A_15 : i32
    %sign3A_17 = arith.extui %sign3A_16 : i1 to i32
    %sign3A_18 = arith.subi %sign3A_14, %sign3A_17 : i32
    %ne3A = arith.cmpi ne, %sign3A_11, %sign3A_18 : i32
    %rem3A = arith.remsi %add3A, %jit3A : i32
    %ne3A_19 = arith.constant 0 : i32
    %ne3A_20 = arith.cmpi ne, %rem3A, %ne3A_19 : i32
    %and3A = arith.andi %ne3A, %ne3A_20 : i1
    %sub3A = arith.constant 1 : i32
    %sub3A_21 = arith.subi %div3A, %sub3A : i32
    %select_n3A = arith.select %and3A, %sub3A_21, %div3A : i32
    %mul3A_22 = arith.constant 2048 : i32
    %mul3A_23 = arith.muli %select_n3A, %mul3A_22 : i32
    %jit3A_24 = arith.constant 4 : i32
    %eq3A = arith.constant 0 : i32
    %eq3A_25 = arith.cmpi eq, %jit3A_24, %eq3A : i32
    %jit3A_26 = arith.constant 1 : i32
    %select_n3A_27 = arith.select %eq3A_25, %jit3A_26, %jit3A_24 : i32
    %rem3A_28 = arith.remsi %add3A, %select_n3A_27 : i32
    %ne3A_29 = arith.constant 0 : i32
    %ne3A_30 = arith.cmpi ne, %rem3A_28, %ne3A_29 : i32
    %lt3A = arith.constant 0 : i32
    %lt3A_31 = arith.cmpi slt, %rem3A_28, %lt3A : i32
    %lt3A_32 = arith.constant 0 : i32
    %lt3A_33 = arith.cmpi slt, %select_n3A_27, %lt3A_32 : i32
    %ne3A_34 = arith.xori %lt3A_31, %lt3A_33 : i1
    %and3A_35 = arith.andi %ne3A_34, %ne3A_30 : i1
    %add3A_36 = arith.addi %rem3A_28, %select_n3A_27 : i32
    %select_n3A_37 = arith.select %and3A_35, %add3A_36, %rem3A_28 : i32
    %mul3A_38 = arith.constant 512 : i32
    %mul3A_39 = arith.muli %select_n3A_37, %mul3A_38 : i32
    %add3A_40 = arith.addi %mul3A_23, %mul3A_39 : i32
    %multiple_of3A_41 = tpu.assume_multiple %add3A_40, 512 : i32
    %jit3A_42 = arith.constant 8 : i32
    %eq3A_43 = arith.constant 0 : i32
    %eq3A_44 = arith.cmpi eq, %jit3A_42, %eq3A_43 : i32
    %jit3A_45 = arith.constant 1 : i32
    %select_n3A_46 = arith.select %eq3A_44, %jit3A_45, %jit3A_42 : i32
    %rem3A_47 = arith.remsi %add3A, %select_n3A_46 : i32
    %ne3A_48 = arith.constant 0 : i32
    %ne3A_49 = arith.cmpi ne, %rem3A_47, %ne3A_48 : i32
    %lt3A_50 = arith.constant 0 : i32
    %lt3A_51 = arith.cmpi slt, %rem3A_47, %lt3A_50 : i32
    %lt3A_52 = arith.constant 0 : i32
    %lt3A_53 = arith.cmpi slt, %select_n3A_46, %lt3A_52 : i32
    %ne3A_54 = arith.xori %lt3A_51, %lt3A_53 : i1
    %and3A_55 = arith.andi %ne3A_54, %ne3A_49 : i1
    %add3A_56 = arith.addi %rem3A_47, %select_n3A_46 : i32
    %select_n3A_57 = arith.select %and3A_55, %add3A_56, %rem3A_47 : i32
    %jit3A_58 = arith.constant 4 : i32
    %div3A_59 = arith.divsi %select_n3A_57, %jit3A_58 : i32
    %sign3A_60 = arith.constant 0 : i32
    %sign3A_61 = arith.cmpi sgt, %select_n3A_57, %sign3A_60 : i32
    %sign3A_62 = arith.extui %sign3A_61 : i1 to i32
    %sign3A_63 = arith.constant 0 : i32
    %sign3A_64 = arith.cmpi slt, %select_n3A_57, %sign3A_63 : i32
    %sign3A_65 = arith.extui %sign3A_64 : i1 to i32
    %sign3A_66 = arith.subi %sign3A_62, %sign3A_65 : i32
    %sign3A_67 = arith.constant 0 : i32
    %sign3A_68 = arith.cmpi sgt, %jit3A_58, %sign3A_67 : i32
    %sign3A_69 = arith.extui %sign3A_68 : i1 to i32
    %sign3A_70 = arith.constant 0 : i32
    %sign3A_71 = arith.cmpi slt, %jit3A_58, %sign3A_70 : i32
    %sign3A_72 = arith.extui %sign3A_71 : i1 to i32
    %sign3A_73 = arith.subi %sign3A_69, %sign3A_72 : i32
    %ne3A_74 = arith.cmpi ne, %sign3A_66, %sign3A_73 : i32
    %rem3A_75 = arith.remsi %select_n3A_57, %jit3A_58 : i32
    %ne3A_76 = arith.constant 0 : i32
    %ne3A_77 = arith.cmpi ne, %rem3A_75, %ne3A_76 : i32
    %and3A_78 = arith.andi %ne3A_74, %ne3A_77 : i1
    %sub3A_79 = arith.constant 1 : i32
    %sub3A_80 = arith.subi %div3A_59, %sub3A_79 : i32
    %select_n3A_81 = arith.select %and3A_78, %sub3A_80, %div3A_59 : i32
    %mul3A_82 = arith.constant 64 : i32
    %mul3A_83 = arith.muli %select_n3A_81, %mul3A_82 : i32
    "tpu.region"() ({
      %run_scoped3A = tpu.sem_alloc : memref<!tpu.dma_semaphore, #tpu.memory_space<semaphore_mem>>
      %dma_start3A_1191 = arith.constant 0 : i32
      %dma_start3A_1192 = tpu.memref_slice %arg2[%dma_start3A_1191, %multiple_of3A_5] : memref<3x16384xi32, #tpu.memory_space<hbm>> -> memref<3x512xi32, #tpu.memory_space<hbm>>
      %dma_start3A_1193 = arith.constant 0 : i32
      %dma_start3A_1194 = tpu.memref_slice %arg2[%dma_start3A_1193, %multiple_of3A_5] : memref<3x16384xi32, #tpu.memory_space<hbm>> -> memref<3x512xi32, #tpu.memory_space<hbm>>
      tpu.enqueue_dma source(%dma_start3A_1194 : memref<3x512xi32, #tpu.memory_space<hbm>>) target(%arg5 : memref<3x512xi32, #tpu.memory_space<vmem>>) target_semaphore(%run_scoped3A : memref<!tpu.dma_semaphore, #tpu.memory_space<semaphore_mem>>)
      %dma_wait3A_1195 = arith.constant 0 : i32
      %dma_wait3A_1196 = tpu.memref_slice %arg2[%dma_wait3A_1195, %multiple_of3A_5] : memref<3x16384xi32, #tpu.memory_space<hbm>> -> memref<3x512xi32, #tpu.memory_space<hbm>>
      %dma_wait3A_1197 = arith.constant 0 : i32
      %dma_wait3A_1198 = tpu.memref_slice %arg2[%dma_wait3A_1197, %multiple_of3A_5] : memref<3x16384xi32, #tpu.memory_space<hbm>> -> memref<3x512xi32, #tpu.memory_space<hbm>>
      tpu.wait_dma2 semaphore(%run_scoped3A : memref<!tpu.dma_semaphore, #tpu.memory_space<semaphore_mem>>) src(%dma_wait3A_1198 : memref<3x512xi32, #tpu.memory_space<hbm>>) dst(%arg5 : memref<3x512xi32, #tpu.memory_space<vmem>>)
      tpu.yield
    }) : () -> ()
    %get3A = arith.constant 1 : i32
    %get3A_84 = arith.index_cast %get3A : i32 to index
    %get3A_85 = arith.constant 0 : index
    %get3A_86 = tpu.vector_load %arg5[%get3A_84, %get3A_85] {strides = array<i32>} : memref<3x512xi32, #tpu.memory_space<vmem>>, vector<16xi32>,
    %add3A_87 = arith.constant 1000 : i32
    %add3A_88 = vector.broadcast %add3A_87 : i32 to vector<16xi32>
    %add3A_89 = arith.addi %get3A_86, %add3A_88 : vector<16xi32>
    %swap3A = arith.constant 1 : i32
    %swap3A_90 = arith.index_cast %swap3A : i32 to index
    %swap3A_91 = arith.constant 0 : index
    %swap3A_92 = tpu.vector_load %arg5[%swap3A_90, %swap3A_91] {strides = array<i32>} : memref<3x512xi32, #tpu.memory_space<vmem>>, vector<16xi32>,
    tpu.vector_store %arg5[%swap3A_90, %swap3A_91], %add3A_89 {strides = array<i32>} : memref<3x512xi32, #tpu.memory_space<vmem>>, vector<16xi32>,
    %get3A_93 = arith.constant 2 : i32
    %get3A_94 = arith.index_cast %get3A_93 : i32 to index
    %get3A_95 = arith.constant 0 : index
    %get3A_96 = tpu.vector_load %arg5[%get3A_94, %get3A_95] {strides = array<i32>} : memref<3x512xi32, #tpu.memory_space<vmem>>, vector<16xi32>,
    %add3A_97 = arith.constant 2000 : i32
    %add3A_98 = vector.broadcast %add3A_97 : i32 to vector<16xi32>
    %add3A_99 = arith.addi %get3A_96, %add3A_98 : vector<16xi32>
    %swap3A_100 = arith.constant 2 : i32
    %swap3A_101 = arith.index_cast %swap3A_100 : i32 to index
    %swap3A_102 = arith.constant 0 : index
    %swap3A_103 = tpu.vector_load %arg5[%swap3A_101, %swap3A_102] {strides = array<i32>} : memref<3x512xi32, #tpu.memory_space<vmem>>, vector<16xi32>,
    tpu.vector_store %arg5[%swap3A_101, %swap3A_102], %add3A_99 {strides = array<i32>} : memref<3x512xi32, #tpu.memory_space<vmem>>, vector<16xi32>,
    %get3A_104 = arith.constant 1 : i32
    %get3A_105 = arith.index_cast %get3A_104 : i32 to index
    %get3A_106 = arith.constant 16 : index
    %get3A_107 = tpu.vector_load %arg5[%get3A_105, %get3A_106] {strides = array<i32>} : memref<3x512xi32, #tpu.memory_space<vmem>>, vector<16xi32>,
    %add3A_108 = arith.constant 1000 : i32
    %add3A_109 = vector.broadcast %add3A_108 : i32 to vector<16xi32>
    %add3A_110 = arith.addi %get3A_107, %add3A_109 : vector<16xi32>
    %swap3A_111 = arith.constant 1 : i32
    %swap3A_112 = arith.index_cast %swap3A_111 : i32 to index
    %swap3A_113 = arith.constant 16 : index
    %swap3A_114 = tpu.vector_load %arg5[%swap3A_112, %swap3A_113] {strides = array<i32>} : memref<3x512xi32, #tpu.memory_space<vmem>>, vector<16xi32>,
    tpu.vector_store %arg5[%swap3A_112, %swap3A_113], %add3A_110 {strides = array<i32>} : memref<3x512xi32, #tpu.memory_space<vmem>>, vector<16xi32>,
    %get3A_115 = arith.constant 2 : i32
    %get3A_116 = arith.index_cast %get3A_115 : i32 to index
    %get3A_117 = arith.constant 16 : index
    %get3A_118 = tpu.vector_load %arg5[%get3A_116, %get3A_117] {strides = array<i32>} : memref<3x512xi32, #tpu.memory_space<vmem>>, vector<16xi32>,
    %add3A_119 = arith.constant 2000 : i32
    %add3A_120 = vector.broadcast %add3A_119 : i32 to vector<16xi32>
    %add3A_121 = arith.addi %get3A_118, %add3A_120 : vector<16xi32>
    %swap3A_122 = arith.constant 2 : i32
    %swap3A_123 = arith.index_cast %swap3A_122 : i32 to index
    %swap3A_124 = arith.constant 16 : index
    %swap3A_125 = tpu.vector_load %arg5[%swap3A_123, %swap3A_124] {strides = array<i32>} : memref<3x512xi32, #tpu.memory_space<vmem>>, vector<16xi32>,
    tpu.vector_store %arg5[%swap3A_123, %swap3A_124], %add3A_121 {strides = array<i32>} : memref<3x512xi32, #tpu.memory_space<vmem>>, vector<16xi32>,
    %get3A_126 = arith.constant 1 : i32
    %get3A_127 = arith.index_cast %get3A_126 : i32 to index
    %get3A_128 = arith.constant 32 : index
    %get3A_129 = tpu.vector_load %arg5[%get3A_127, %get3A_128] {strides = array<i32>} : memref<3x512xi32, #tpu.memory_space<vmem>>, vector<16xi32>,
    %add3A_130 = arith.constant 1000 : i32
    %add3A_131 = vector.broadcast %add3A_130 : i32 to vector<16xi32>
    %add3A_132 = arith.addi %get3A_129, %add3A_131 : vector<16xi32>
    %swap3A_133 = arith.constant 1 : i32
    %swap3A_134 = arith.index_cast %swap3A_133 : i32 to index
    %swap3A_135 = arith.constant 32 : index
    %swap3A_136 = tpu.vector_load %arg5[%swap3A_134, %swap3A_135] {strides = array<i32>} : memref<3x512xi32, #tpu.memory_space<vmem>>, vector<16xi32>,
    tpu.vector_store %arg5[%swap3A_134, %swap3A_135], %add3A_132 {strides = array<i32>} : memref<3x512xi32, #tpu.memory_space<vmem>>, vector<16xi32>,
    %get3A_137 = arith.constant 2 : i32
    %get3A_138 = arith.index_cast %get3A_137 : i32 to index
    %get3A_139 = arith.constant 32 : index
    %get3A_140 = tpu.vector_load %arg5[%get3A_138, %get3A_139] {strides = array<i32>} : memref<3x512xi32, #tpu.memory_space<vmem>>, vector<16xi32>,
    %add3A_141 = arith.constant 2000 : i32
    %add3A_142 = vector.broadcast %add3A_141 : i32 to vector<16xi32>
    %add3A_143 = arith.addi %get3A_140, %add3A_142 : vector<16xi32>
    %swap3A_144 = arith.constant 2 : i32
    %swap3A_145 = arith.index_cast %swap3A_144 : i32 to index
    %swap3A_146 = arith.constant 32 : index
    %swap3A_147 = tpu.vector_load %arg5[%swap3A_145, %swap3A_146] {strides = array<i32>} : memref<3x512xi32, #tpu.memory_space<vmem>>, vector<16xi32>,
    tpu.vector_store %arg5[%swap3A_145, %swap3A_146], %add3A_143 {strides = array<i32>} : memref<3x512xi32, #tpu.memory_space<vmem>>, vector<16xi32>,
    %get3A_148 = arith.constant 1 : i32
    %get3A_149 = arith.index_cast %get3A_148 : i32 to index
    %get3A_150 = arith.constant 48 : index
    %get3A_151 = tpu.vector_load %arg5[%get3A_149, %get3A_150] {strides = array<i32>} : memref<3x512xi32, #tpu.memory_space<vmem>>, vector<16xi32>,
    %add3A_152 = arith.constant 1000 : i32
    %add3A_153 = vector.broadcast %add3A_152 : i32 to vector<16xi32>
    %add3A_154 = arith.addi %get3A_151, %add3A_153 : vector<16xi32>
    %swap3A_155 = arith.constant 1 : i32
    %swap3A_156 = arith.index_cast %swap3A_155 : i32 to index
    %swap3A_157 = arith.constant 48 : index
    %swap3A_158 = tpu.vector_load %arg5[%swap3A_156, %swap3A_157] {strides = array<i32>} : memref<3x512xi32, #tpu.memory_space<vmem>>, vector<16xi32>,
    tpu.vector_store %arg5[%swap3A_156, %swap3A_157], %add3A_154 {strides = array<i32>} : memref<3x512xi32, #tpu.memory_space<vmem>>, vector<16xi32>,
    %get3A_159 = arith.constant 2 : i32
    %get3A_160 = arith.index_cast %get3A_159 : i32 to index
    %get3A_161 = arith.constant 48 : index
    %get3A_162 = tpu.vector_load %arg5[%get3A_160, %get3A_161] {strides = array<i32>} : memref<3x512xi32, #tpu.memory_space<vmem>>, vector<16xi32>,
    %add3A_163 = arith.constant 2000 : i32
    %add3A_164 = vector.broadcast %add3A_163 : i32 to vector<16xi32>
    %add3A_165 = arith.addi %get3A_162, %add3A_164 : vector<16xi32>
    %swap3A_166 = arith.constant 2 : i32
    %swap3A_167 = arith.index_cast %swap3A_166 : i32 to index
    %swap3A_168 = arith.constant 48 : index
    %swap3A_169 = tpu.vector_load %arg5[%swap3A_167, %swap3A_168] {strides = array<i32>} : memref<3x512xi32, #tpu.memory_space<vmem>>, vector<16xi32>,
    tpu.vector_store %arg5[%swap3A_167, %swap3A_168], %add3A_165 {strides = array<i32>} : memref<3x512xi32, #tpu.memory_space<vmem>>, vector<16xi32>,
    %get3A_170 = arith.constant 1 : i32
    %get3A_171 = arith.index_cast %get3A_170 : i32 to index
    %get3A_172 = arith.constant 64 : index
    %get3A_173 = tpu.vector_load %arg5[%get3A_171, %get3A_172] {strides = array<i32>} : memref<3x512xi32, #tpu.memory_space<vmem>>, vector<16xi32>,
    %add3A_174 = arith.constant 1000 : i32
    %add3A_175 = vector.broadcast %add3A_174 : i32 to vector<16xi32>
    %add3A_176 = arith.addi %get3A_173, %add3A_175 : vector<16xi32>
    %swap3A_177 = arith.constant 1 : i32
    %swap3A_178 = arith.index_cast %swap3A_177 : i32 to index
    %swap3A_179 = arith.constant 64 : index
    %swap3A_180 = tpu.vector_load %arg5[%swap3A_178, %swap3A_179] {strides = array<i32>} : memref<3x512xi32, #tpu.memory_space<vmem>>, vector<16xi32>,
    tpu.vector_store %arg5[%swap3A_178, %swap3A_179], %add3A_176 {strides = array<i32>} : memref<3x512xi32, #tpu.memory_space<vmem>>, vector<16xi32>,
    %get3A_181 = arith.constant 2 : i32
    %get3A_182 = arith.index_cast %get3A_181 : i32 to index
    %get3A_183 = arith.constant 64 : index
    %get3A_184 = tpu.vector_load %arg5[%get3A_182, %get3A_183] {strides = array<i32>} : memref<3x512xi32, #tpu.memory_space<vmem>>, vector<16xi32>,
    %add3A_185 = arith.constant 2000 : i32
    %add3A_186 = vector.broadcast %add3A_185 : i32 to vector<16xi32>
    %add3A_187 = arith.addi %get3A_184, %add3A_186 : vector<16xi32>
    %swap3A_188 = arith.constant 2 : i32
    %swap3A_189 = arith.index_cast %swap3A_188 : i32 to index
    %swap3A_190 = arith.constant 64 : index
    %swap3A_191 = tpu.vector_load %arg5[%swap3A_189, %swap3A_190] {strides = array<i32>} : memref<3x512xi32, #tpu.memory_space<vmem>>, vector<16xi32>,
    tpu.vector_store %arg5[%swap3A_189, %swap3A_190], %add3A_187 {strides = array<i32>} : memref<3x512xi32, #tpu.memory_space<vmem>>, vector<16xi32>,
    %get3A_192 = arith.constant 1 : i32
    %get3A_193 = arith.index_cast %get3A_192 : i32 to index
    %get3A_194 = arith.constant 80 : index
    %get3A_195 = tpu.vector_load %arg5[%get3A_193, %get3A_194] {strides = array<i32>} : memref<3x512xi32, #tpu.memory_space<vmem>>, vector<16xi32>,
    %add3A_196 = arith.constant 1000 : i32
    %add3A_197 = vector.broadcast %add3A_196 : i32 to vector<16xi32>
    %add3A_198 = arith.addi %get3A_195, %add3A_197 : vector<16xi32>
    %swap3A_199 = arith.constant 1 : i32
    %swap3A_200 = arith.index_cast %swap3A_199 : i32 to index
    %swap3A_201 = arith.constant 80 : index
    %swap3A_202 = tpu.vector_load %arg5[%swap3A_200, %swap3A_201] {strides = array<i32>} : memref<3x512xi32, #tpu.memory_space<vmem>>, vector<16xi32>,
    tpu.vector_store %arg5[%swap3A_200, %swap3A_201], %add3A_198 {strides = array<i32>} : memref<3x512xi32, #tpu.memory_space<vmem>>, vector<16xi32>,
    %get3A_203 = arith.constant 2 : i32
    %get3A_204 = arith.index_cast %get3A_203 : i32 to index
    %get3A_205 = arith.constant 80 : index
    %get3A_206 = tpu.vector_load %arg5[%get3A_204, %get3A_205] {strides = array<i32>} : memref<3x512xi32, #tpu.memory_space<vmem>>, vector<16xi32>,
    %add3A_207 = arith.constant 2000 : i32
    %add3A_208 = vector.broadcast %add3A_207 : i32 to vector<16xi32>
    %add3A_209 = arith.addi %get3A_206, %add3A_208 : vector<16xi32>
    %swap3A_210 = arith.constant 2 : i32
    %swap3A_211 = arith.index_cast %swap3A_210 : i32 to index
    %swap3A_212 = arith.constant 80 : index
    %swap3A_213 = tpu.vector_load %arg5[%swap3A_211, %swap3A_212] {strides = array<i32>} : memref<3x512xi32, #tpu.memory_space<vmem>>, vector<16xi32>,
    tpu.vector_store %arg5[%swap3A_211, %swap3A_212], %add3A_209 {strides = array<i32>} : memref<3x512xi32, #tpu.memory_space<vmem>>, vector<16xi32>,
    %get3A_214 = arith.constant 1 : i32
    %get3A_215 = arith.index_cast %get3A_214 : i32 to index
    %get3A_216 = arith.constant 96 : index
    %get3A_217 = tpu.vector_load %arg5[%get3A_215, %get3A_216] {strides = array<i32>} : memref<3x512xi32, #tpu.memory_space<vmem>>, vector<16xi32>,
    %add3A_218 = arith.constant 1000 : i32
    %add3A_219 = vector.broadcast %add3A_218 : i32 to vector<16xi32>
    %add3A_220 = arith.addi %get3A_217, %add3A_219 : vector<16xi32>
    %swap3A_221 = arith.constant 1 : i32
    %swap3A_222 = arith.index_cast %swap3A_221 : i32 to index
    %swap3A_223 = arith.constant 96 : index
    %swap3A_224 = tpu.vector_load %arg5[%swap3A_222, %swap3A_223] {strides = array<i32>} : memref<3x512xi32, #tpu.memory_space<vmem>>, vector<16xi32>,
    tpu.vector_store %arg5[%swap3A_222, %swap3A_223], %add3A_220 {strides = array<i32>} : memref<3x512xi32, #tpu.memory_space<vmem>>, vector<16xi32>,
    %get3A_225 = arith.constant 2 : i32
    %get3A_226 = arith.index_cast %get3A_225 : i32 to index
    %get3A_227 = arith.constant 96 : index
    %get3A_228 = tpu.vector_load %arg5[%get3A_226, %get3A_227] {strides = array<i32>} : memref<3x512xi32, #tpu.memory_space<vmem>>, vector<16xi32>,
    %add3A_229 = arith.constant 2000 : i32
    %add3A_230 = vector.broadcast %add3A_229 : i32 to vector<16xi32>
    %add3A_231 = arith.addi %get3A_228, %add3A_230 : vector<16xi32>
    %swap3A_232 = arith.constant 2 : i32
    %swap3A_233 = arith.index_cast %swap3A_232 : i32 to index
    %swap3A_234 = arith.constant 96 : index
    %swap3A_235 = tpu.vector_load %arg5[%swap3A_233, %swap3A_234] {strides = array<i32>} : memref<3x512xi32, #tpu.memory_space<vmem>>, vector<16xi32>,
    tpu.vector_store %arg5[%swap3A_233, %swap3A_234], %add3A_231 {strides = array<i32>} : memref<3x512xi32, #tpu.memory_space<vmem>>, vector<16xi32>,
    %get3A_236 = arith.constant 1 : i32
    %get3A_237 = arith.index_cast %get3A_236 : i32 to index
    %get3A_238 = arith.constant 112 : index
    %get3A_239 = tpu.vector_load %arg5[%get3A_237, %get3A_238] {strides = array<i32>} : memref<3x512xi32, #tpu.memory_space<vmem>>, vector<16xi32>,
    %add3A_240 = arith.constant 1000 : i32
    %add3A_241 = vector.broadcast %add3A_240 : i32 to vector<16xi32>
    %add3A_242 = arith.addi %get3A_239, %add3A_241 : vector<16xi32>
    %swap3A_243 = arith.constant 1 : i32
    %swap3A_244 = arith.index_cast %swap3A_243 : i32 to index
    %swap3A_245 = arith.constant 112 : index
    %swap3A_246 = tpu.vector_load %arg5[%swap3A_244, %swap3A_245] {strides = array<i32>} : memref<3x512xi32, #tpu.memory_space<vmem>>, vector<16xi32>,
    tpu.vector_store %arg5[%swap3A_244, %swap3A_245], %add3A_242 {strides = array<i32>} : memref<3x512xi32, #tpu.memory_space<vmem>>, vector<16xi32>,
    %get3A_247 = arith.constant 2 : i32
    %get3A_248 = arith.index_cast %get3A_247 : i32 to index
    %get3A_249 = arith.constant 112 : index
    %get3A_250 = tpu.vector_load %arg5[%get3A_248, %get3A_249] {strides = array<i32>} : memref<3x512xi32, #tpu.memory_space<vmem>>, vector<16xi32>,
    %add3A_251 = arith.constant 2000 : i32
    %add3A_252 = vector.broadcast %add3A_251 : i32 to vector<16xi32>
    %add3A_253 = arith.addi %get3A_250, %add3A_252 : vector<16xi32>
    %swap3A_254 = arith.constant 2 : i32
    %swap3A_255 = arith.index_cast %swap3A_254 : i32 to index
    %swap3A_256 = arith.constant 112 : index
    %swap3A_257 = tpu.vector_load %arg5[%swap3A_255, %swap3A_256] {strides = array<i32>} : memref<3x512xi32, #tpu.memory_space<vmem>>, vector<16xi32>,
    tpu.vector_store %arg5[%swap3A_255, %swap3A_256], %add3A_253 {strides = array<i32>} : memref<3x512xi32, #tpu.memory_space<vmem>>, vector<16xi32>,
    %get3A_258 = arith.constant 1 : i32
    %get3A_259 = arith.index_cast %get3A_258 : i32 to index
    %get3A_260 = arith.constant 128 : index
    %get3A_261 = tpu.vector_load %arg5[%get3A_259, %get3A_260] {strides = array<i32>} : memref<3x512xi32, #tpu.memory_space<vmem>>, vector<16xi32>,
    %add3A_262 = arith.constant 1000 : i32
    %add3A_263 = vector.broadcast %add3A_262 : i32 to vector<16xi32>
    %add3A_264 = arith.addi %get3A_261, %add3A_263 : vector<16xi32>
    %swap3A_265 = arith.constant 1 : i32
    %swap3A_266 = arith.index_cast %swap3A_265 : i32 to index
    %swap3A_267 = arith.constant 128 : index
    %swap3A_268 = tpu.vector_load %arg5[%swap3A_266, %swap3A_267] {strides = array<i32>} : memref<3x512xi32, #tpu.memory_space<vmem>>, vector<16xi32>,
    tpu.vector_store %arg5[%swap3A_266, %swap3A_267], %add3A_264 {strides = array<i32>} : memref<3x512xi32, #tpu.memory_space<vmem>>, vector<16xi32>,
    %get3A_269 = arith.constant 2 : i32
    %get3A_270 = arith.index_cast %get3A_269 : i32 to index
    %get3A_271 = arith.constant 128 : index
    %get3A_272 = tpu.vector_load %arg5[%get3A_270, %get3A_271] {strides = array<i32>} : memref<3x512xi32, #tpu.memory_space<vmem>>, vector<16xi32>,
    %add3A_273 = arith.constant 2000 : i32
    %add3A_274 = vector.broadcast %add3A_273 : i32 to vector<16xi32>
    %add3A_275 = arith.addi %get3A_272, %add3A_274 : vector<16xi32>
    %swap3A_276 = arith.constant 2 : i32
    %swap3A_277 = arith.index_cast %swap3A_276 : i32 to index
    %swap3A_278 = arith.constant 128 : index
    %swap3A_279 = tpu.vector_load %arg5[%swap3A_277, %swap3A_278] {strides = array<i32>} : memref<3x512xi32, #tpu.memory_space<vmem>>, vector<16xi32>,
    tpu.vector_store %arg5[%swap3A_277, %swap3A_278], %add3A_275 {strides = array<i32>} : memref<3x512xi32, #tpu.memory_space<vmem>>, vector<16xi32>,
    %get3A_280 = arith.constant 1 : i32
    %get3A_281 = arith.index_cast %get3A_280 : i32 to index
    %get3A_282 = arith.constant 144 : index
    %get3A_283 = tpu.vector_load %arg5[%get3A_281, %get3A_282] {strides = array<i32>} : memref<3x512xi32, #tpu.memory_space<vmem>>, vector<16xi32>,
    %add3A_284 = arith.constant 1000 : i32
    %add3A_285 = vector.broadcast %add3A_284 : i32 to vector<16xi32>
    %add3A_286 = arith.addi %get3A_283, %add3A_285 : vector<16xi32>
    %swap3A_287 = arith.constant 1 : i32
    %swap3A_288 = arith.index_cast %swap3A_287 : i32 to index
    %swap3A_289 = arith.constant 144 : index
    %swap3A_290 = tpu.vector_load %arg5[%swap3A_288, %swap3A_289] {strides = array<i32>} : memref<3x512xi32, #tpu.memory_space<vmem>>, vector<16xi32>,
    tpu.vector_store %arg5[%swap3A_288, %swap3A_289], %add3A_286 {strides = array<i32>} : memref<3x512xi32, #tpu.memory_space<vmem>>, vector<16xi32>,
    %get3A_291 = arith.constant 2 : i32
    %get3A_292 = arith.index_cast %get3A_291 : i32 to index
    %get3A_293 = arith.constant 144 : index
    %get3A_294 = tpu.vector_load %arg5[%get3A_292, %get3A_293] {strides = array<i32>} : memref<3x512xi32, #tpu.memory_space<vmem>>, vector<16xi32>,
    %add3A_295 = arith.constant 2000 : i32
    %add3A_296 = vector.broadcast %add3A_295 : i32 to vector<16xi32>
    %add3A_297 = arith.addi %get3A_294, %add3A_296 : vector<16xi32>
    %swap3A_298 = arith.constant 2 : i32
    %swap3A_299 = arith.index_cast %swap3A_298 : i32 to index
    %swap3A_300 = arith.constant 144 : index
    %swap3A_301 = tpu.vector_load %arg5[%swap3A_299, %swap3A_300] {strides = array<i32>} : memref<3x512xi32, #tpu.memory_space<vmem>>, vector<16xi32>,
    tpu.vector_store %arg5[%swap3A_299, %swap3A_300], %add3A_297 {strides = array<i32>} : memref<3x512xi32, #tpu.memory_space<vmem>>, vector<16xi32>,
    %get3A_302 = arith.constant 1 : i32
    %get3A_303 = arith.index_cast %get3A_302 : i32 to index
    %get3A_304 = arith.constant 160 : index
    %get3A_305 = tpu.vector_load %arg5[%get3A_303, %get3A_304] {strides = array<i32>} : memref<3x512xi32, #tpu.memory_space<vmem>>, vector<16xi32>,
    %add3A_306 = arith.constant 1000 : i32
    %add3A_307 = vector.broadcast %add3A_306 : i32 to vector<16xi32>
    %add3A_308 = arith.addi %get3A_305, %add3A_307 : vector<16xi32>
    %swap3A_309 = arith.constant 1 : i32
    %swap3A_310 = arith.index_cast %swap3A_309 : i32 to index
    %swap3A_311 = arith.constant 160 : index
    %swap3A_312 = tpu.vector_load %arg5[%swap3A_310, %swap3A_311] {strides = array<i32>} : memref<3x512xi32, #tpu.memory_space<vmem>>, vector<16xi32>,
    tpu.vector_store %arg5[%swap3A_310, %swap3A_311], %add3A_308 {strides = array<i32>} : memref<3x512xi32, #tpu.memory_space<vmem>>, vector<16xi32>,
    %get3A_313 = arith.constant 2 : i32
    %get3A_314 = arith.index_cast %get3A_313 : i32 to index
    %get3A_315 = arith.constant 160 : index
    %get3A_316 = tpu.vector_load %arg5[%get3A_314, %get3A_315] {strides = array<i32>} : memref<3x512xi32, #tpu.memory_space<vmem>>, vector<16xi32>,
    %add3A_317 = arith.constant 2000 : i32
    %add3A_318 = vector.broadcast %add3A_317 : i32 to vector<16xi32>
    %add3A_319 = arith.addi %get3A_316, %add3A_318 : vector<16xi32>
    %swap3A_320 = arith.constant 2 : i32
    %swap3A_321 = arith.index_cast %swap3A_320 : i32 to index
    %swap3A_322 = arith.constant 160 : index
    %swap3A_323 = tpu.vector_load %arg5[%swap3A_321, %swap3A_322] {strides = array<i32>} : memref<3x512xi32, #tpu.memory_space<vmem>>, vector<16xi32>,
    tpu.vector_store %arg5[%swap3A_321, %swap3A_322], %add3A_319 {strides = array<i32>} : memref<3x512xi32, #tpu.memory_space<vmem>>, vector<16xi32>,
    %get3A_324 = arith.constant 1 : i32
    %get3A_325 = arith.index_cast %get3A_324 : i32 to index
    %get3A_326 = arith.constant 176 : index
    %get3A_327 = tpu.vector_load %arg5[%get3A_325, %get3A_326] {strides = array<i32>} : memref<3x512xi32, #tpu.memory_space<vmem>>, vector<16xi32>,
    %add3A_328 = arith.constant 1000 : i32
    %add3A_329 = vector.broadcast %add3A_328 : i32 to vector<16xi32>
    %add3A_330 = arith.addi %get3A_327, %add3A_329 : vector<16xi32>
    %swap3A_331 = arith.constant 1 : i32
    %swap3A_332 = arith.index_cast %swap3A_331 : i32 to index
    %swap3A_333 = arith.constant 176 : index
    %swap3A_334 = tpu.vector_load %arg5[%swap3A_332, %swap3A_333] {strides = array<i32>} : memref<3x512xi32, #tpu.memory_space<vmem>>, vector<16xi32>,
    tpu.vector_store %arg5[%swap3A_332, %swap3A_333], %add3A_330 {strides = array<i32>} : memref<3x512xi32, #tpu.memory_space<vmem>>, vector<16xi32>,
    %get3A_335 = arith.constant 2 : i32
    %get3A_336 = arith.index_cast %get3A_335 : i32 to index
    %get3A_337 = arith.constant 176 : index
    %get3A_338 = tpu.vector_load %arg5[%get3A_336, %get3A_337] {strides = array<i32>} : memref<3x512xi32, #tpu.memory_space<vmem>>, vector<16xi32>,
    %add3A_339 = arith.constant 2000 : i32
    %add3A_340 = vector.broadcast %add3A_339 : i32 to vector<16xi32>
    %add3A_341 = arith.addi %get3A_338, %add3A_340 : vector<16xi32>
    %swap3A_342 = arith.constant 2 : i32
    %swap3A_343 = arith.index_cast %swap3A_342 : i32 to index
    %swap3A_344 = arith.constant 176 : index
    %swap3A_345 = tpu.vector_load %arg5[%swap3A_343, %swap3A_344] {strides = array<i32>} : memref<3x512xi32, #tpu.memory_space<vmem>>, vector<16xi32>,
    tpu.vector_store %arg5[%swap3A_343, %swap3A_344], %add3A_341 {strides = array<i32>} : memref<3x512xi32, #tpu.memory_space<vmem>>, vector<16xi32>,
    %get3A_346 = arith.constant 1 : i32
    %get3A_347 = arith.index_cast %get3A_346 : i32 to index
    %get3A_348 = arith.constant 192 : index
    %get3A_349 = tpu.vector_load %arg5[%get3A_347, %get3A_348] {strides = array<i32>} : memref<3x512xi32, #tpu.memory_space<vmem>>, vector<16xi32>,
    %add3A_350 = arith.constant 1000 : i32
    %add3A_351 = vector.broadcast %add3A_350 : i32 to vector<16xi32>
    %add3A_352 = arith.addi %get3A_349, %add3A_351 : vector<16xi32>
    %swap3A_353 = arith.constant 1 : i32
    %swap3A_354 = arith.index_cast %swap3A_353 : i32 to index
    %swap3A_355 = arith.constant 192 : index
    %swap3A_356 = tpu.vector_load %arg5[%swap3A_354, %swap3A_355] {strides = array<i32>} : memref<3x512xi32, #tpu.memory_space<vmem>>, vector<16xi32>,
    tpu.vector_store %arg5[%swap3A_354, %swap3A_355], %add3A_352 {strides = array<i32>} : memref<3x512xi32, #tpu.memory_space<vmem>>, vector<16xi32>,
    %get3A_357 = arith.constant 2 : i32
    %get3A_358 = arith.index_cast %get3A_357 : i32 to index
    %get3A_359 = arith.constant 192 : index
    %get3A_360 = tpu.vector_load %arg5[%get3A_358, %get3A_359] {strides = array<i32>} : memref<3x512xi32, #tpu.memory_space<vmem>>, vector<16xi32>,
    %add3A_361 = arith.constant 2000 : i32
    %add3A_362 = vector.broadcast %add3A_361 : i32 to vector<16xi32>
    %add3A_363 = arith.addi %get3A_360, %add3A_362 : vector<16xi32>
    %swap3A_364 = arith.constant 2 : i32
    %swap3A_365 = arith.index_cast %swap3A_364 : i32 to index
    %swap3A_366 = arith.constant 192 : index
    %swap3A_367 = tpu.vector_load %arg5[%swap3A_365, %swap3A_366] {strides = array<i32>} : memref<3x512xi32, #tpu.memory_space<vmem>>, vector<16xi32>,
    tpu.vector_store %arg5[%swap3A_365, %swap3A_366], %add3A_363 {strides = array<i32>} : memref<3x512xi32, #tpu.memory_space<vmem>>, vector<16xi32>,
    %get3A_368 = arith.constant 1 : i32
    %get3A_369 = arith.index_cast %get3A_368 : i32 to index
    %get3A_370 = arith.constant 208 : index
    %get3A_371 = tpu.vector_load %arg5[%get3A_369, %get3A_370] {strides = array<i32>} : memref<3x512xi32, #tpu.memory_space<vmem>>, vector<16xi32>,
    %add3A_372 = arith.constant 1000 : i32
    %add3A_373 = vector.broadcast %add3A_372 : i32 to vector<16xi32>
    %add3A_374 = arith.addi %get3A_371, %add3A_373 : vector<16xi32>
    %swap3A_375 = arith.constant 1 : i32
    %swap3A_376 = arith.index_cast %swap3A_375 : i32 to index
    %swap3A_377 = arith.constant 208 : index
    %swap3A_378 = tpu.vector_load %arg5[%swap3A_376, %swap3A_377] {strides = array<i32>} : memref<3x512xi32, #tpu.memory_space<vmem>>, vector<16xi32>,
    tpu.vector_store %arg5[%swap3A_376, %swap3A_377], %add3A_374 {strides = array<i32>} : memref<3x512xi32, #tpu.memory_space<vmem>>, vector<16xi32>,
    %get3A_379 = arith.constant 2 : i32
    %get3A_380 = arith.index_cast %get3A_379 : i32 to index
    %get3A_381 = arith.constant 208 : index
    %get3A_382 = tpu.vector_load %arg5[%get3A_380, %get3A_381] {strides = array<i32>} : memref<3x512xi32, #tpu.memory_space<vmem>>, vector<16xi32>,
    %add3A_383 = arith.constant 2000 : i32
    %add3A_384 = vector.broadcast %add3A_383 : i32 to vector<16xi32>
    %add3A_385 = arith.addi %get3A_382, %add3A_384 : vector<16xi32>
    %swap3A_386 = arith.constant 2 : i32
    %swap3A_387 = arith.index_cast %swap3A_386 : i32 to index
    %swap3A_388 = arith.constant 208 : index
    %swap3A_389 = tpu.vector_load %arg5[%swap3A_387, %swap3A_388] {strides = array<i32>} : memref<3x512xi32, #tpu.memory_space<vmem>>, vector<16xi32>,
    tpu.vector_store %arg5[%swap3A_387, %swap3A_388], %add3A_385 {strides = array<i32>} : memref<3x512xi32, #tpu.memory_space<vmem>>, vector<16xi32>,
    %get3A_390 = arith.constant 1 : i32
    %get3A_391 = arith.index_cast %get3A_390 : i32 to index
    %get3A_392 = arith.constant 224 : index
    %get3A_393 = tpu.vector_load %arg5[%get3A_391, %get3A_392] {strides = array<i32>} : memref<3x512xi32, #tpu.memory_space<vmem>>, vector<16xi32>,
    %add3A_394 = arith.constant 1000 : i32
    %add3A_395 = vector.broadcast %add3A_394 : i32 to vector<16xi32>
    %add3A_396 = arith.addi %get3A_393, %add3A_395 : vector<16xi32>
    %swap3A_397 = arith.constant 1 : i32
    %swap3A_398 = arith.index_cast %swap3A_397 : i32 to index
    %swap3A_399 = arith.constant 224 : index
    %swap3A_400 = tpu.vector_load %arg5[%swap3A_398, %swap3A_399] {strides = array<i32>} : memref<3x512xi32, #tpu.memory_space<vmem>>, vector<16xi32>,
    tpu.vector_store %arg5[%swap3A_398, %swap3A_399], %add3A_396 {strides = array<i32>} : memref<3x512xi32, #tpu.memory_space<vmem>>, vector<16xi32>,
    %get3A_401 = arith.constant 2 : i32
    %get3A_402 = arith.index_cast %get3A_401 : i32 to index
    %get3A_403 = arith.constant 224 : index
    %get3A_404 = tpu.vector_load %arg5[%get3A_402, %get3A_403] {strides = array<i32>} : memref<3x512xi32, #tpu.memory_space<vmem>>, vector<16xi32>,
    %add3A_405 = arith.constant 2000 : i32
    %add3A_406 = vector.broadcast %add3A_405 : i32 to vector<16xi32>
    %add3A_407 = arith.addi %get3A_404, %add3A_406 : vector<16xi32>
    %swap3A_408 = arith.constant 2 : i32
    %swap3A_409 = arith.index_cast %swap3A_408 : i32 to index
    %swap3A_410 = arith.constant 224 : index
    %swap3A_411 = tpu.vector_load %arg5[%swap3A_409, %swap3A_410] {strides = array<i32>} : memref<3x512xi32, #tpu.memory_space<vmem>>, vector<16xi32>,
    tpu.vector_store %arg5[%swap3A_409, %swap3A_410], %add3A_407 {strides = array<i32>} : memref<3x512xi32, #tpu.memory_space<vmem>>, vector<16xi32>,
    %get3A_412 = arith.constant 1 : i32
    %get3A_413 = arith.index_cast %get3A_412 : i32 to index
    %get3A_414 = arith.constant 240 : index
    %get3A_415 = tpu.vector_load %arg5[%get3A_413, %get3A_414] {strides = array<i32>} : memref<3x512xi32, #tpu.memory_space<vmem>>, vector<16xi32>,
    %add3A_416 = arith.constant 1000 : i32
    %add3A_417 = vector.broadcast %add3A_416 : i32 to vector<16xi32>
    %add3A_418 = arith.addi %get3A_415, %add3A_417 : vector<16xi32>
    %swap3A_419 = arith.constant 1 : i32
    %swap3A_420 = arith.index_cast %swap3A_419 : i32 to index
    %swap3A_421 = arith.constant 240 : index
    %swap3A_422 = tpu.vector_load %arg5[%swap3A_420, %swap3A_421] {strides = array<i32>} : memref<3x512xi32, #tpu.memory_space<vmem>>, vector<16xi32>,
    tpu.vector_store %arg5[%swap3A_420, %swap3A_421], %add3A_418 {strides = array<i32>} : memref<3x512xi32, #tpu.memory_space<vmem>>, vector<16xi32>,
    %get3A_423 = arith.constant 2 : i32
    %get3A_424 = arith.index_cast %get3A_423 : i32 to index
    %get3A_425 = arith.constant 240 : index
    %get3A_426 = tpu.vector_load %arg5[%get3A_424, %get3A_425] {strides = array<i32>} : memref<3x512xi32, #tpu.memory_space<vmem>>, vector<16xi32>,
    %add3A_427 = arith.constant 2000 : i32
    %add3A_428 = vector.broadcast %add3A_427 : i32 to vector<16xi32>
    %add3A_429 = arith.addi %get3A_426, %add3A_428 : vector<16xi32>
    %swap3A_430 = arith.constant 2 : i32
    %swap3A_431 = arith.index_cast %swap3A_430 : i32 to index
    %swap3A_432 = arith.constant 240 : index
    %swap3A_433 = tpu.vector_load %arg5[%swap3A_431, %swap3A_432] {strides = array<i32>} : memref<3x512xi32, #tpu.memory_space<vmem>>, vector<16xi32>,
    tpu.vector_store %arg5[%swap3A_431, %swap3A_432], %add3A_429 {strides = array<i32>} : memref<3x512xi32, #tpu.memory_space<vmem>>, vector<16xi32>,
    %get3A_434 = arith.constant 1 : i32
    %get3A_435 = arith.index_cast %get3A_434 : i32 to index
    %get3A_436 = arith.constant 256 : index
    %get3A_437 = tpu.vector_load %arg5[%get3A_435, %get3A_436] {strides = array<i32>} : memref<3x512xi32, #tpu.memory_space<vmem>>, vector<16xi32>,
    %add3A_438 = arith.constant 1000 : i32
    %add3A_439 = vector.broadcast %add3A_438 : i32 to vector<16xi32>
    %add3A_440 = arith.addi %get3A_437, %add3A_439 : vector<16xi32>
    %swap3A_441 = arith.constant 1 : i32
    %swap3A_442 = arith.index_cast %swap3A_441 : i32 to index
    %swap3A_443 = arith.constant 256 : index
    %swap3A_444 = tpu.vector_load %arg5[%swap3A_442, %swap3A_443] {strides = array<i32>} : memref<3x512xi32, #tpu.memory_space<vmem>>, vector<16xi32>,
    tpu.vector_store %arg5[%swap3A_442, %swap3A_443], %add3A_440 {strides = array<i32>} : memref<3x512xi32, #tpu.memory_space<vmem>>, vector<16xi32>,
    %get3A_445 = arith.constant 2 : i32
    %get3A_446 = arith.index_cast %get3A_445 : i32 to index
    %get3A_447 = arith.constant 256 : index
    %get3A_448 = tpu.vector_load %arg5[%get3A_446, %get3A_447] {strides = array<i32>} : memref<3x512xi32, #tpu.memory_space<vmem>>, vector<16xi32>,
    %add3A_449 = arith.constant 2000 : i32
    %add3A_450 = vector.broadcast %add3A_449 : i32 to vector<16xi32>
    %add3A_451 = arith.addi %get3A_448, %add3A_450 : vector<16xi32>
    %swap3A_452 = arith.constant 2 : i32
    %swap3A_453 = arith.index_cast %swap3A_452 : i32 to index
    %swap3A_454 = arith.constant 256 : index
    %swap3A_455 = tpu.vector_load %arg5[%swap3A_453, %swap3A_454] {strides = array<i32>} : memref<3x512xi32, #tpu.memory_space<vmem>>, vector<16xi32>,
    tpu.vector_store %arg5[%swap3A_453, %swap3A_454], %add3A_451 {strides = array<i32>} : memref<3x512xi32, #tpu.memory_space<vmem>>, vector<16xi32>,
    %get3A_456 = arith.constant 1 : i32
    %get3A_457 = arith.index_cast %get3A_456 : i32 to index
    %get3A_458 = arith.constant 272 : index
    %get3A_459 = tpu.vector_load %arg5[%get3A_457, %get3A_458] {strides = array<i32>} : memref<3x512xi32, #tpu.memory_space<vmem>>, vector<16xi32>,
    %add3A_460 = arith.constant 1000 : i32
    %add3A_461 = vector.broadcast %add3A_460 : i32 to vector<16xi32>
    %add3A_462 = arith.addi %get3A_459, %add3A_461 : vector<16xi32>
    %swap3A_463 = arith.constant 1 : i32
    %swap3A_464 = arith.index_cast %swap3A_463 : i32 to index
    %swap3A_465 = arith.constant 272 : index
    %swap3A_466 = tpu.vector_load %arg5[%swap3A_464, %swap3A_465] {strides = array<i32>} : memref<3x512xi32, #tpu.memory_space<vmem>>, vector<16xi32>,
    tpu.vector_store %arg5[%swap3A_464, %swap3A_465], %add3A_462 {strides = array<i32>} : memref<3x512xi32, #tpu.memory_space<vmem>>, vector<16xi32>,
    %get3A_467 = arith.constant 2 : i32
    %get3A_468 = arith.index_cast %get3A_467 : i32 to index
    %get3A_469 = arith.constant 272 : index
    %get3A_470 = tpu.vector_load %arg5[%get3A_468, %get3A_469] {strides = array<i32>} : memref<3x512xi32, #tpu.memory_space<vmem>>, vector<16xi32>,
    %add3A_471 = arith.constant 2000 : i32
    %add3A_472 = vector.broadcast %add3A_471 : i32 to vector<16xi32>
    %add3A_473 = arith.addi %get3A_470, %add3A_472 : vector<16xi32>
    %swap3A_474 = arith.constant 2 : i32
    %swap3A_475 = arith.index_cast %swap3A_474 : i32 to index
    %swap3A_476 = arith.constant 272 : index
    %swap3A_477 = tpu.vector_load %arg5[%swap3A_475, %swap3A_476] {strides = array<i32>} : memref<3x512xi32, #tpu.memory_space<vmem>>, vector<16xi32>,
    tpu.vector_store %arg5[%swap3A_475, %swap3A_476], %add3A_473 {strides = array<i32>} : memref<3x512xi32, #tpu.memory_space<vmem>>, vector<16xi32>,
    %get3A_478 = arith.constant 1 : i32
    %get3A_479 = arith.index_cast %get3A_478 : i32 to index
    %get3A_480 = arith.constant 288 : index
    %get3A_481 = tpu.vector_load %arg5[%get3A_479, %get3A_480] {strides = array<i32>} : memref<3x512xi32, #tpu.memory_space<vmem>>, vector<16xi32>,
    %add3A_482 = arith.constant 1000 : i32
    %add3A_483 = vector.broadcast %add3A_482 : i32 to vector<16xi32>
    %add3A_484 = arith.addi %get3A_481, %add3A_483 : vector<16xi32>
    %swap3A_485 = arith.constant 1 : i32
    %swap3A_486 = arith.index_cast %swap3A_485 : i32 to index
    %swap3A_487 = arith.constant 288 : index
    %swap3A_488 = tpu.vector_load %arg5[%swap3A_486, %swap3A_487] {strides = array<i32>} : memref<3x512xi32, #tpu.memory_space<vmem>>, vector<16xi32>,
    tpu.vector_store %arg5[%swap3A_486, %swap3A_487], %add3A_484 {strides = array<i32>} : memref<3x512xi32, #tpu.memory_space<vmem>>, vector<16xi32>,
    %get3A_489 = arith.constant 2 : i32
    %get3A_490 = arith.index_cast %get3A_489 : i32 to index
    %get3A_491 = arith.constant 288 : index
    %get3A_492 = tpu.vector_load %arg5[%get3A_490, %get3A_491] {strides = array<i32>} : memref<3x512xi32, #tpu.memory_space<vmem>>, vector<16xi32>,
    %add3A_493 = arith.constant 2000 : i32
    %add3A_494 = vector.broadcast %add3A_493 : i32 to vector<16xi32>
    %add3A_495 = arith.addi %get3A_492, %add3A_494 : vector<16xi32>
    %swap3A_496 = arith.constant 2 : i32
    %swap3A_497 = arith.index_cast %swap3A_496 : i32 to index
    %swap3A_498 = arith.constant 288 : index
    %swap3A_499 = tpu.vector_load %arg5[%swap3A_497, %swap3A_498] {strides = array<i32>} : memref<3x512xi32, #tpu.memory_space<vmem>>, vector<16xi32>,
    tpu.vector_store %arg5[%swap3A_497, %swap3A_498], %add3A_495 {strides = array<i32>} : memref<3x512xi32, #tpu.memory_space<vmem>>, vector<16xi32>,
    %get3A_500 = arith.constant 1 : i32
    %get3A_501 = arith.index_cast %get3A_500 : i32 to index
    %get3A_502 = arith.constant 304 : index
    %get3A_503 = tpu.vector_load %arg5[%get3A_501, %get3A_502] {strides = array<i32>} : memref<3x512xi32, #tpu.memory_space<vmem>>, vector<16xi32>,
    %add3A_504 = arith.constant 1000 : i32
    %add3A_505 = vector.broadcast %add3A_504 : i32 to vector<16xi32>
    %add3A_506 = arith.addi %get3A_503, %add3A_505 : vector<16xi32>
    %swap3A_507 = arith.constant 1 : i32
    %swap3A_508 = arith.index_cast %swap3A_507 : i32 to index
    %swap3A_509 = arith.constant 304 : index
    %swap3A_510 = tpu.vector_load %arg5[%swap3A_508, %swap3A_509] {strides = array<i32>} : memref<3x512xi32, #tpu.memory_space<vmem>>, vector<16xi32>,
    tpu.vector_store %arg5[%swap3A_508, %swap3A_509], %add3A_506 {strides = array<i32>} : memref<3x512xi32, #tpu.memory_space<vmem>>, vector<16xi32>,
    %get3A_511 = arith.constant 2 : i32
    %get3A_512 = arith.index_cast %get3A_511 : i32 to index
    %get3A_513 = arith.constant 304 : index
    %get3A_514 = tpu.vector_load %arg5[%get3A_512, %get3A_513] {strides = array<i32>} : memref<3x512xi32, #tpu.memory_space<vmem>>, vector<16xi32>,
    %add3A_515 = arith.constant 2000 : i32
    %add3A_516 = vector.broadcast %add3A_515 : i32 to vector<16xi32>
    %add3A_517 = arith.addi %get3A_514, %add3A_516 : vector<16xi32>
    %swap3A_518 = arith.constant 2 : i32
    %swap3A_519 = arith.index_cast %swap3A_518 : i32 to index
    %swap3A_520 = arith.constant 304 : index
    %swap3A_521 = tpu.vector_load %arg5[%swap3A_519, %swap3A_520] {strides = array<i32>} : memref<3x512xi32, #tpu.memory_space<vmem>>, vector<16xi32>,
    tpu.vector_store %arg5[%swap3A_519, %swap3A_520], %add3A_517 {strides = array<i32>} : memref<3x512xi32, #tpu.memory_space<vmem>>, vector<16xi32>,
    %get3A_522 = arith.constant 1 : i32
    %get3A_523 = arith.index_cast %get3A_522 : i32 to index
    %get3A_524 = arith.constant 320 : index
    %get3A_525 = tpu.vector_load %arg5[%get3A_523, %get3A_524] {strides = array<i32>} : memref<3x512xi32, #tpu.memory_space<vmem>>, vector<16xi32>,
    %add3A_526 = arith.constant 1000 : i32
    %add3A_527 = vector.broadcast %add3A_526 : i32 to vector<16xi32>
    %add3A_528 = arith.addi %get3A_525, %add3A_527 : vector<16xi32>
    %swap3A_529 = arith.constant 1 : i32
    %swap3A_530 = arith.index_cast %swap3A_529 : i32 to index
    %swap3A_531 = arith.constant 320 : index
    %swap3A_532 = tpu.vector_load %arg5[%swap3A_530, %swap3A_531] {strides = array<i32>} : memref<3x512xi32, #tpu.memory_space<vmem>>, vector<16xi32>,
    tpu.vector_store %arg5[%swap3A_530, %swap3A_531], %add3A_528 {strides = array<i32>} : memref<3x512xi32, #tpu.memory_space<vmem>>, vector<16xi32>,
    %get3A_533 = arith.constant 2 : i32
    %get3A_534 = arith.index_cast %get3A_533 : i32 to index
    %get3A_535 = arith.constant 320 : index
    %get3A_536 = tpu.vector_load %arg5[%get3A_534, %get3A_535] {strides = array<i32>} : memref<3x512xi32, #tpu.memory_space<vmem>>, vector<16xi32>,
    %add3A_537 = arith.constant 2000 : i32
    %add3A_538 = vector.broadcast %add3A_537 : i32 to vector<16xi32>
    %add3A_539 = arith.addi %get3A_536, %add3A_538 : vector<16xi32>
    %swap3A_540 = arith.constant 2 : i32
    %swap3A_541 = arith.index_cast %swap3A_540 : i32 to index
    %swap3A_542 = arith.constant 320 : index
    %swap3A_543 = tpu.vector_load %arg5[%swap3A_541, %swap3A_542] {strides = array<i32>} : memref<3x512xi32, #tpu.memory_space<vmem>>, vector<16xi32>,
    tpu.vector_store %arg5[%swap3A_541, %swap3A_542], %add3A_539 {strides = array<i32>} : memref<3x512xi32, #tpu.memory_space<vmem>>, vector<16xi32>,
    %get3A_544 = arith.constant 1 : i32
    %get3A_545 = arith.index_cast %get3A_544 : i32 to index
    %get3A_546 = arith.constant 336 : index
    %get3A_547 = tpu.vector_load %arg5[%get3A_545, %get3A_546] {strides = array<i32>} : memref<3x512xi32, #tpu.memory_space<vmem>>, vector<16xi32>,
    %add3A_548 = arith.constant 1000 : i32
    %add3A_549 = vector.broadcast %add3A_548 : i32 to vector<16xi32>
    %add3A_550 = arith.addi %get3A_547, %add3A_549 : vector<16xi32>
    %swap3A_551 = arith.constant 1 : i32
    %swap3A_552 = arith.index_cast %swap3A_551 : i32 to index
    %swap3A_553 = arith.constant 336 : index
    %swap3A_554 = tpu.vector_load %arg5[%swap3A_552, %swap3A_553] {strides = array<i32>} : memref<3x512xi32, #tpu.memory_space<vmem>>, vector<16xi32>,
    tpu.vector_store %arg5[%swap3A_552, %swap3A_553], %add3A_550 {strides = array<i32>} : memref<3x512xi32, #tpu.memory_space<vmem>>, vector<16xi32>,
    %get3A_555 = arith.constant 2 : i32
    %get3A_556 = arith.index_cast %get3A_555 : i32 to index
    %get3A_557 = arith.constant 336 : index
    %get3A_558 = tpu.vector_load %arg5[%get3A_556, %get3A_557] {strides = array<i32>} : memref<3x512xi32, #tpu.memory_space<vmem>>, vector<16xi32>,
    %add3A_559 = arith.constant 2000 : i32
    %add3A_560 = vector.broadcast %add3A_559 : i32 to vector<16xi32>
    %add3A_561 = arith.addi %get3A_558, %add3A_560 : vector<16xi32>
    %swap3A_562 = arith.constant 2 : i32
    %swap3A_563 = arith.index_cast %swap3A_562 : i32 to index
    %swap3A_564 = arith.constant 336 : index
    %swap3A_565 = tpu.vector_load %arg5[%swap3A_563, %swap3A_564] {strides = array<i32>} : memref<3x512xi32, #tpu.memory_space<vmem>>, vector<16xi32>,
    tpu.vector_store %arg5[%swap3A_563, %swap3A_564], %add3A_561 {strides = array<i32>} : memref<3x512xi32, #tpu.memory_space<vmem>>, vector<16xi32>,
    %get3A_566 = arith.constant 1 : i32
    %get3A_567 = arith.index_cast %get3A_566 : i32 to index
    %get3A_568 = arith.constant 352 : index
    %get3A_569 = tpu.vector_load %arg5[%get3A_567, %get3A_568] {strides = array<i32>} : memref<3x512xi32, #tpu.memory_space<vmem>>, vector<16xi32>,
    %add3A_570 = arith.constant 1000 : i32
    %add3A_571 = vector.broadcast %add3A_570 : i32 to vector<16xi32>
    %add3A_572 = arith.addi %get3A_569, %add3A_571 : vector<16xi32>
    %swap3A_573 = arith.constant 1 : i32
    %swap3A_574 = arith.index_cast %swap3A_573 : i32 to index
    %swap3A_575 = arith.constant 352 : index
    %swap3A_576 = tpu.vector_load %arg5[%swap3A_574, %swap3A_575] {strides = array<i32>} : memref<3x512xi32, #tpu.memory_space<vmem>>, vector<16xi32>,
    tpu.vector_store %arg5[%swap3A_574, %swap3A_575], %add3A_572 {strides = array<i32>} : memref<3x512xi32, #tpu.memory_space<vmem>>, vector<16xi32>,
    %get3A_577 = arith.constant 2 : i32
    %get3A_578 = arith.index_cast %get3A_577 : i32 to index
    %get3A_579 = arith.constant 352 : index
    %get3A_580 = tpu.vector_load %arg5[%get3A_578, %get3A_579] {strides = array<i32>} : memref<3x512xi32, #tpu.memory_space<vmem>>, vector<16xi32>,
    %add3A_581 = arith.constant 2000 : i32
    %add3A_582 = vector.broadcast %add3A_581 : i32 to vector<16xi32>
    %add3A_583 = arith.addi %get3A_580, %add3A_582 : vector<16xi32>
    %swap3A_584 = arith.constant 2 : i32
    %swap3A_585 = arith.index_cast %swap3A_584 : i32 to index
    %swap3A_586 = arith.constant 352 : index
    %swap3A_587 = tpu.vector_load %arg5[%swap3A_585, %swap3A_586] {strides = array<i32>} : memref<3x512xi32, #tpu.memory_space<vmem>>, vector<16xi32>,
    tpu.vector_store %arg5[%swap3A_585, %swap3A_586], %add3A_583 {strides = array<i32>} : memref<3x512xi32, #tpu.memory_space<vmem>>, vector<16xi32>,
    %get3A_588 = arith.constant 1 : i32
    %get3A_589 = arith.index_cast %get3A_588 : i32 to index
    %get3A_590 = arith.constant 368 : index
    %get3A_591 = tpu.vector_load %arg5[%get3A_589, %get3A_590] {strides = array<i32>} : memref<3x512xi32, #tpu.memory_space<vmem>>, vector<16xi32>,
    %add3A_592 = arith.constant 1000 : i32
    %add3A_593 = vector.broadcast %add3A_592 : i32 to vector<16xi32>
    %add3A_594 = arith.addi %get3A_591, %add3A_593 : vector<16xi32>
    %swap3A_595 = arith.constant 1 : i32
    %swap3A_596 = arith.index_cast %swap3A_595 : i32 to index
    %swap3A_597 = arith.constant 368 : index
    %swap3A_598 = tpu.vector_load %arg5[%swap3A_596, %swap3A_597] {strides = array<i32>} : memref<3x512xi32, #tpu.memory_space<vmem>>, vector<16xi32>,
    tpu.vector_store %arg5[%swap3A_596, %swap3A_597], %add3A_594 {strides = array<i32>} : memref<3x512xi32, #tpu.memory_space<vmem>>, vector<16xi32>,
    %get3A_599 = arith.constant 2 : i32
    %get3A_600 = arith.index_cast %get3A_599 : i32 to index
    %get3A_601 = arith.constant 368 : index
    %get3A_602 = tpu.vector_load %arg5[%get3A_600, %get3A_601] {strides = array<i32>} : memref<3x512xi32, #tpu.memory_space<vmem>>, vector<16xi32>,
    %add3A_603 = arith.constant 2000 : i32
    %add3A_604 = vector.broadcast %add3A_603 : i32 to vector<16xi32>
    %add3A_605 = arith.addi %get3A_602, %add3A_604 : vector<16xi32>
    %swap3A_606 = arith.constant 2 : i32
    %swap3A_607 = arith.index_cast %swap3A_606 : i32 to index
    %swap3A_608 = arith.constant 368 : index
    %swap3A_609 = tpu.vector_load %arg5[%swap3A_607, %swap3A_608] {strides = array<i32>} : memref<3x512xi32, #tpu.memory_space<vmem>>, vector<16xi32>,
    tpu.vector_store %arg5[%swap3A_607, %swap3A_608], %add3A_605 {strides = array<i32>} : memref<3x512xi32, #tpu.memory_space<vmem>>, vector<16xi32>,
    %get3A_610 = arith.constant 1 : i32
    %get3A_611 = arith.index_cast %get3A_610 : i32 to index
    %get3A_612 = arith.constant 384 : index
    %get3A_613 = tpu.vector_load %arg5[%get3A_611, %get3A_612] {strides = array<i32>} : memref<3x512xi32, #tpu.memory_space<vmem>>, vector<16xi32>,
    %add3A_614 = arith.constant 1000 : i32
    %add3A_615 = vector.broadcast %add3A_614 : i32 to vector<16xi32>
    %add3A_616 = arith.addi %get3A_613, %add3A_615 : vector<16xi32>
    %swap3A_617 = arith.constant 1 : i32
    %swap3A_618 = arith.index_cast %swap3A_617 : i32 to index
    %swap3A_619 = arith.constant 384 : index
    %swap3A_620 = tpu.vector_load %arg5[%swap3A_618, %swap3A_619] {strides = array<i32>} : memref<3x512xi32, #tpu.memory_space<vmem>>, vector<16xi32>,
    tpu.vector_store %arg5[%swap3A_618, %swap3A_619], %add3A_616 {strides = array<i32>} : memref<3x512xi32, #tpu.memory_space<vmem>>, vector<16xi32>,
    %get3A_621 = arith.constant 2 : i32
    %get3A_622 = arith.index_cast %get3A_621 : i32 to index
    %get3A_623 = arith.constant 384 : index
    %get3A_624 = tpu.vector_load %arg5[%get3A_622, %get3A_623] {strides = array<i32>} : memref<3x512xi32, #tpu.memory_space<vmem>>, vector<16xi32>,
    %add3A_625 = arith.constant 2000 : i32
    %add3A_626 = vector.broadcast %add3A_625 : i32 to vector<16xi32>
    %add3A_627 = arith.addi %get3A_624, %add3A_626 : vector<16xi32>
    %swap3A_628 = arith.constant 2 : i32
    %swap3A_629 = arith.index_cast %swap3A_628 : i32 to index
    %swap3A_630 = arith.constant 384 : index
    %swap3A_631 = tpu.vector_load %arg5[%swap3A_629, %swap3A_630] {strides = array<i32>} : memref<3x512xi32, #tpu.memory_space<vmem>>, vector<16xi32>,
    tpu.vector_store %arg5[%swap3A_629, %swap3A_630], %add3A_627 {strides = array<i32>} : memref<3x512xi32, #tpu.memory_space<vmem>>, vector<16xi32>,
    %get3A_632 = arith.constant 1 : i32
    %get3A_633 = arith.index_cast %get3A_632 : i32 to index
    %get3A_634 = arith.constant 400 : index
    %get3A_635 = tpu.vector_load %arg5[%get3A_633, %get3A_634] {strides = array<i32>} : memref<3x512xi32, #tpu.memory_space<vmem>>, vector<16xi32>,
    %add3A_636 = arith.constant 1000 : i32
    %add3A_637 = vector.broadcast %add3A_636 : i32 to vector<16xi32>
    %add3A_638 = arith.addi %get3A_635, %add3A_637 : vector<16xi32>
    %swap3A_639 = arith.constant 1 : i32
    %swap3A_640 = arith.index_cast %swap3A_639 : i32 to index
    %swap3A_641 = arith.constant 400 : index
    %swap3A_642 = tpu.vector_load %arg5[%swap3A_640, %swap3A_641] {strides = array<i32>} : memref<3x512xi32, #tpu.memory_space<vmem>>, vector<16xi32>,
    tpu.vector_store %arg5[%swap3A_640, %swap3A_641], %add3A_638 {strides = array<i32>} : memref<3x512xi32, #tpu.memory_space<vmem>>, vector<16xi32>,
    %get3A_643 = arith.constant 2 : i32
    %get3A_644 = arith.index_cast %get3A_643 : i32 to index
    %get3A_645 = arith.constant 400 : index
    %get3A_646 = tpu.vector_load %arg5[%get3A_644, %get3A_645] {strides = array<i32>} : memref<3x512xi32, #tpu.memory_space<vmem>>, vector<16xi32>,
    %add3A_647 = arith.constant 2000 : i32
    %add3A_648 = vector.broadcast %add3A_647 : i32 to vector<16xi32>
    %add3A_649 = arith.addi %get3A_646, %add3A_648 : vector<16xi32>
    %swap3A_650 = arith.constant 2 : i32
    %swap3A_651 = arith.index_cast %swap3A_650 : i32 to index
    %swap3A_652 = arith.constant 400 : index
    %swap3A_653 = tpu.vector_load %arg5[%swap3A_651, %swap3A_652] {strides = array<i32>} : memref<3x512xi32, #tpu.memory_space<vmem>>, vector<16xi32>,
    tpu.vector_store %arg5[%swap3A_651, %swap3A_652], %add3A_649 {strides = array<i32>} : memref<3x512xi32, #tpu.memory_space<vmem>>, vector<16xi32>,
    %get3A_654 = arith.constant 1 : i32
    %get3A_655 = arith.index_cast %get3A_654 : i32 to index
    %get3A_656 = arith.constant 416 : index
    %get3A_657 = tpu.vector_load %arg5[%get3A_655, %get3A_656] {strides = array<i32>} : memref<3x512xi32, #tpu.memory_space<vmem>>, vector<16xi32>,
    %add3A_658 = arith.constant 1000 : i32
    %add3A_659 = vector.broadcast %add3A_658 : i32 to vector<16xi32>
    %add3A_660 = arith.addi %get3A_657, %add3A_659 : vector<16xi32>
    %swap3A_661 = arith.constant 1 : i32
    %swap3A_662 = arith.index_cast %swap3A_661 : i32 to index
    %swap3A_663 = arith.constant 416 : index
    %swap3A_664 = tpu.vector_load %arg5[%swap3A_662, %swap3A_663] {strides = array<i32>} : memref<3x512xi32, #tpu.memory_space<vmem>>, vector<16xi32>,
    tpu.vector_store %arg5[%swap3A_662, %swap3A_663], %add3A_660 {strides = array<i32>} : memref<3x512xi32, #tpu.memory_space<vmem>>, vector<16xi32>,
    %get3A_665 = arith.constant 2 : i32
    %get3A_666 = arith.index_cast %get3A_665 : i32 to index
    %get3A_667 = arith.constant 416 : index
    %get3A_668 = tpu.vector_load %arg5[%get3A_666, %get3A_667] {strides = array<i32>} : memref<3x512xi32, #tpu.memory_space<vmem>>, vector<16xi32>,
    %add3A_669 = arith.constant 2000 : i32
    %add3A_670 = vector.broadcast %add3A_669 : i32 to vector<16xi32>
    %add3A_671 = arith.addi %get3A_668, %add3A_670 : vector<16xi32>
    %swap3A_672 = arith.constant 2 : i32
    %swap3A_673 = arith.index_cast %swap3A_672 : i32 to index
    %swap3A_674 = arith.constant 416 : index
    %swap3A_675 = tpu.vector_load %arg5[%swap3A_673, %swap3A_674] {strides = array<i32>} : memref<3x512xi32, #tpu.memory_space<vmem>>, vector<16xi32>,
    tpu.vector_store %arg5[%swap3A_673, %swap3A_674], %add3A_671 {strides = array<i32>} : memref<3x512xi32, #tpu.memory_space<vmem>>, vector<16xi32>,
    %get3A_676 = arith.constant 1 : i32
    %get3A_677 = arith.index_cast %get3A_676 : i32 to index
    %get3A_678 = arith.constant 432 : index
    %get3A_679 = tpu.vector_load %arg5[%get3A_677, %get3A_678] {strides = array<i32>} : memref<3x512xi32, #tpu.memory_space<vmem>>, vector<16xi32>,
    %add3A_680 = arith.constant 1000 : i32
    %add3A_681 = vector.broadcast %add3A_680 : i32 to vector<16xi32>
    %add3A_682 = arith.addi %get3A_679, %add3A_681 : vector<16xi32>
    %swap3A_683 = arith.constant 1 : i32
    %swap3A_684 = arith.index_cast %swap3A_683 : i32 to index
    %swap3A_685 = arith.constant 432 : index
    %swap3A_686 = tpu.vector_load %arg5[%swap3A_684, %swap3A_685] {strides = array<i32>} : memref<3x512xi32, #tpu.memory_space<vmem>>, vector<16xi32>,
    tpu.vector_store %arg5[%swap3A_684, %swap3A_685], %add3A_682 {strides = array<i32>} : memref<3x512xi32, #tpu.memory_space<vmem>>, vector<16xi32>,
    %get3A_687 = arith.constant 2 : i32
    %get3A_688 = arith.index_cast %get3A_687 : i32 to index
    %get3A_689 = arith.constant 432 : index
    %get3A_690 = tpu.vector_load %arg5[%get3A_688, %get3A_689] {strides = array<i32>} : memref<3x512xi32, #tpu.memory_space<vmem>>, vector<16xi32>,
    %add3A_691 = arith.constant 2000 : i32
    %add3A_692 = vector.broadcast %add3A_691 : i32 to vector<16xi32>
    %add3A_693 = arith.addi %get3A_690, %add3A_692 : vector<16xi32>
    %swap3A_694 = arith.constant 2 : i32
    %swap3A_695 = arith.index_cast %swap3A_694 : i32 to index
    %swap3A_696 = arith.constant 432 : index
    %swap3A_697 = tpu.vector_load %arg5[%swap3A_695, %swap3A_696] {strides = array<i32>} : memref<3x512xi32, #tpu.memory_space<vmem>>, vector<16xi32>,
    tpu.vector_store %arg5[%swap3A_695, %swap3A_696], %add3A_693 {strides = array<i32>} : memref<3x512xi32, #tpu.memory_space<vmem>>, vector<16xi32>,
    %get3A_698 = arith.constant 1 : i32
    %get3A_699 = arith.index_cast %get3A_698 : i32 to index
    %get3A_700 = arith.constant 448 : index
    %get3A_701 = tpu.vector_load %arg5[%get3A_699, %get3A_700] {strides = array<i32>} : memref<3x512xi32, #tpu.memory_space<vmem>>, vector<16xi32>,
    %add3A_702 = arith.constant 1000 : i32
    %add3A_703 = vector.broadcast %add3A_702 : i32 to vector<16xi32>
    %add3A_704 = arith.addi %get3A_701, %add3A_703 : vector<16xi32>
    %swap3A_705 = arith.constant 1 : i32
    %swap3A_706 = arith.index_cast %swap3A_705 : i32 to index
    %swap3A_707 = arith.constant 448 : index
    %swap3A_708 = tpu.vector_load %arg5[%swap3A_706, %swap3A_707] {strides = array<i32>} : memref<3x512xi32, #tpu.memory_space<vmem>>, vector<16xi32>,
    tpu.vector_store %arg5[%swap3A_706, %swap3A_707], %add3A_704 {strides = array<i32>} : memref<3x512xi32, #tpu.memory_space<vmem>>, vector<16xi32>,
    %get3A_709 = arith.constant 2 : i32
    %get3A_710 = arith.index_cast %get3A_709 : i32 to index
    %get3A_711 = arith.constant 448 : index
    %get3A_712 = tpu.vector_load %arg5[%get3A_710, %get3A_711] {strides = array<i32>} : memref<3x512xi32, #tpu.memory_space<vmem>>, vector<16xi32>,
    %add3A_713 = arith.constant 2000 : i32
    %add3A_714 = vector.broadcast %add3A_713 : i32 to vector<16xi32>
    %add3A_715 = arith.addi %get3A_712, %add3A_714 : vector<16xi32>
    %swap3A_716 = arith.constant 2 : i32
    %swap3A_717 = arith.index_cast %swap3A_716 : i32 to index
    %swap3A_718 = arith.constant 448 : index
    %swap3A_719 = tpu.vector_load %arg5[%swap3A_717, %swap3A_718] {strides = array<i32>} : memref<3x512xi32, #tpu.memory_space<vmem>>, vector<16xi32>,
    tpu.vector_store %arg5[%swap3A_717, %swap3A_718], %add3A_715 {strides = array<i32>} : memref<3x512xi32, #tpu.memory_space<vmem>>, vector<16xi32>,
    %get3A_720 = arith.constant 1 : i32
    %get3A_721 = arith.index_cast %get3A_720 : i32 to index
    %get3A_722 = arith.constant 464 : index
    %get3A_723 = tpu.vector_load %arg5[%get3A_721, %get3A_722] {strides = array<i32>} : memref<3x512xi32, #tpu.memory_space<vmem>>, vector<16xi32>,
    %add3A_724 = arith.constant 1000 : i32
    %add3A_725 = vector.broadcast %add3A_724 : i32 to vector<16xi32>
    %add3A_726 = arith.addi %get3A_723, %add3A_725 : vector<16xi32>
    %swap3A_727 = arith.constant 1 : i32
    %swap3A_728 = arith.index_cast %swap3A_727 : i32 to index
    %swap3A_729 = arith.constant 464 : index
    %swap3A_730 = tpu.vector_load %arg5[%swap3A_728, %swap3A_729] {strides = array<i32>} : memref<3x512xi32, #tpu.memory_space<vmem>>, vector<16xi32>,
    tpu.vector_store %arg5[%swap3A_728, %swap3A_729], %add3A_726 {strides = array<i32>} : memref<3x512xi32, #tpu.memory_space<vmem>>, vector<16xi32>,
    %get3A_731 = arith.constant 2 : i32
    %get3A_732 = arith.index_cast %get3A_731 : i32 to index
    %get3A_733 = arith.constant 464 : index
    %get3A_734 = tpu.vector_load %arg5[%get3A_732, %get3A_733] {strides = array<i32>} : memref<3x512xi32, #tpu.memory_space<vmem>>, vector<16xi32>,
    %add3A_735 = arith.constant 2000 : i32
    %add3A_736 = vector.broadcast %add3A_735 : i32 to vector<16xi32>
    %add3A_737 = arith.addi %get3A_734, %add3A_736 : vector<16xi32>
    %swap3A_738 = arith.constant 2 : i32
    %swap3A_739 = arith.index_cast %swap3A_738 : i32 to index
    %swap3A_740 = arith.constant 464 : index
    %swap3A_741 = tpu.vector_load %arg5[%swap3A_739, %swap3A_740] {strides = array<i32>} : memref<3x512xi32, #tpu.memory_space<vmem>>, vector<16xi32>,
    tpu.vector_store %arg5[%swap3A_739, %swap3A_740], %add3A_737 {strides = array<i32>} : memref<3x512xi32, #tpu.memory_space<vmem>>, vector<16xi32>,
    %get3A_742 = arith.constant 1 : i32
    %get3A_743 = arith.index_cast %get3A_742 : i32 to index
    %get3A_744 = arith.constant 480 : index
    %get3A_745 = tpu.vector_load %arg5[%get3A_743, %get3A_744] {strides = array<i32>} : memref<3x512xi32, #tpu.memory_space<vmem>>, vector<16xi32>,
    %add3A_746 = arith.constant 1000 : i32
    %add3A_747 = vector.broadcast %add3A_746 : i32 to vector<16xi32>
    %add3A_748 = arith.addi %get3A_745, %add3A_747 : vector<16xi32>
    %swap3A_749 = arith.constant 1 : i32
    %swap3A_750 = arith.index_cast %swap3A_749 : i32 to index
    %swap3A_751 = arith.constant 480 : index
    %swap3A_752 = tpu.vector_load %arg5[%swap3A_750, %swap3A_751] {strides = array<i32>} : memref<3x512xi32, #tpu.memory_space<vmem>>, vector<16xi32>,
    tpu.vector_store %arg5[%swap3A_750, %swap3A_751], %add3A_748 {strides = array<i32>} : memref<3x512xi32, #tpu.memory_space<vmem>>, vector<16xi32>,
    %get3A_753 = arith.constant 2 : i32
    %get3A_754 = arith.index_cast %get3A_753 : i32 to index
    %get3A_755 = arith.constant 480 : index
    %get3A_756 = tpu.vector_load %arg5[%get3A_754, %get3A_755] {strides = array<i32>} : memref<3x512xi32, #tpu.memory_space<vmem>>, vector<16xi32>,
    %add3A_757 = arith.constant 2000 : i32
    %add3A_758 = vector.broadcast %add3A_757 : i32 to vector<16xi32>
    %add3A_759 = arith.addi %get3A_756, %add3A_758 : vector<16xi32>
    %swap3A_760 = arith.constant 2 : i32
    %swap3A_761 = arith.index_cast %swap3A_760 : i32 to index
    %swap3A_762 = arith.constant 480 : index
    %swap3A_763 = tpu.vector_load %arg5[%swap3A_761, %swap3A_762] {strides = array<i32>} : memref<3x512xi32, #tpu.memory_space<vmem>>, vector<16xi32>,
    tpu.vector_store %arg5[%swap3A_761, %swap3A_762], %add3A_759 {strides = array<i32>} : memref<3x512xi32, #tpu.memory_space<vmem>>, vector<16xi32>,
    %get3A_764 = arith.constant 1 : i32
    %get3A_765 = arith.index_cast %get3A_764 : i32 to index
    %get3A_766 = arith.constant 496 : index
    %get3A_767 = tpu.vector_load %arg5[%get3A_765, %get3A_766] {strides = array<i32>} : memref<3x512xi32, #tpu.memory_space<vmem>>, vector<16xi32>,
    %add3A_768 = arith.constant 1000 : i32
    %add3A_769 = vector.broadcast %add3A_768 : i32 to vector<16xi32>
    %add3A_770 = arith.addi %get3A_767, %add3A_769 : vector<16xi32>
    %swap3A_771 = arith.constant 1 : i32
    %swap3A_772 = arith.index_cast %swap3A_771 : i32 to index
    %swap3A_773 = arith.constant 496 : index
    %swap3A_774 = tpu.vector_load %arg5[%swap3A_772, %swap3A_773] {strides = array<i32>} : memref<3x512xi32, #tpu.memory_space<vmem>>, vector<16xi32>,
    tpu.vector_store %arg5[%swap3A_772, %swap3A_773], %add3A_770 {strides = array<i32>} : memref<3x512xi32, #tpu.memory_space<vmem>>, vector<16xi32>,
    %get3A_775 = arith.constant 2 : i32
    %get3A_776 = arith.index_cast %get3A_775 : i32 to index
    %get3A_777 = arith.constant 496 : index
    %get3A_778 = tpu.vector_load %arg5[%get3A_776, %get3A_777] {strides = array<i32>} : memref<3x512xi32, #tpu.memory_space<vmem>>, vector<16xi32>,
    %add3A_779 = arith.constant 2000 : i32
    %add3A_780 = vector.broadcast %add3A_779 : i32 to vector<16xi32>
    %add3A_781 = arith.addi %get3A_778, %add3A_780 : vector<16xi32>
    %swap3A_782 = arith.constant 2 : i32
    %swap3A_783 = arith.index_cast %swap3A_782 : i32 to index
    %swap3A_784 = arith.constant 496 : index
    %swap3A_785 = tpu.vector_load %arg5[%swap3A_783, %swap3A_784] {strides = array<i32>} : memref<3x512xi32, #tpu.memory_space<vmem>>, vector<16xi32>,
    tpu.vector_store %arg5[%swap3A_783, %swap3A_784], %add3A_781 {strides = array<i32>} : memref<3x512xi32, #tpu.memory_space<vmem>>, vector<16xi32>,
    %barrier3A = arith.constant 0 : index
    tpu.barrier barrier_id(%barrier3A)
    %dma_start3A = arith.constant 0 : i32
    %dma_start3A_786 = arith.constant 0 : i32
    %dma_start3A_787 = arith.constant 0 : i32
    %dma_start3A_788 = arith.constant 0 : i32
    %dma_start3A_789 = tpu.memref_slice %arg6[%dma_start3A_786, %dma_start3A_787, %dma_start3A_788] : memref<4x128x64xf32, #tpu.memory_space<vmem>> -> memref<1x128x64xf32, #tpu.memory_space<vmem>>
    %dma_start3A_790 = tpu.memref_squeeze %dma_start3A_789 : memref<1x128x64xf32, #tpu.memory_space<vmem>> -> memref<128x64xf32, #tpu.memory_space<vmem>>
    %dma_start3A_791 = arith.constant 0 : i32
    %dma_start3A_792 = tpu.memref_slice %arg5[%dma_start3A, %dma_start3A_791] : memref<3x512xi32, #tpu.memory_space<vmem>> -> memref<1x128xi32, #tpu.memory_space<vmem>>
    %dma_start3A_793 = tpu.memref_squeeze %dma_start3A_792 : memref<1x128xi32, #tpu.memory_space<vmem>> -> memref<128xi32, #tpu.memory_space<vmem>>
    %dma_start3A_794 = arith.constant 0 : i32
    %dma_start3A_795 = arith.constant 0 : i32
    %dma_start3A_796 = tpu.memref_slice %arg9[%dma_start3A_794, %dma_start3A_795] : memref<3072x64xf32, #tpu.memory_space<vmem_shared>> -> memref<3072x64xf32, #tpu.memory_space<vmem_shared>>
    tpu.enqueue_indirect_dma source(%dma_start3A_796 : memref<3072x64xf32, #tpu.memory_space<vmem_shared>>) target(%dma_start3A_790 : memref<128x64xf32, #tpu.memory_space<vmem>>) offsets(%dma_start3A_793 : memref<128xi32, #tpu.memory_space<vmem>>) semaphore(%arg10 : memref<!tpu.dma_semaphore, #tpu.memory_space<semaphore_mem>>)
    %dma_start3A_797 = arith.constant 1 : i32
    %dma_start3A_798 = arith.constant 0 : i32
    %dma_start3A_799 = arith.constant 0 : i32
    %dma_start3A_800 = arith.constant 0 : i32
    %dma_start3A_801 = tpu.memref_slice %arg7[%dma_start3A_798, %dma_start3A_799, %dma_start3A_800] : memref<4x128x64xf32, #tpu.memory_space<vmem>> -> memref<1x128x64xf32, #tpu.memory_space<vmem>>
    %dma_start3A_802 = tpu.memref_squeeze %dma_start3A_801 : memref<1x128x64xf32, #tpu.memory_space<vmem>> -> memref<128x64xf32, #tpu.memory_space<vmem>>
    %dma_start3A_803 = arith.constant 0 : i32
    %dma_start3A_804 = tpu.memref_slice %arg5[%dma_start3A_797, %dma_start3A_803] : memref<3x512xi32, #tpu.memory_space<vmem>> -> memref<1x128xi32, #tpu.memory_space<vmem>>
    %dma_start3A_805 = tpu.memref_squeeze %dma_start3A_804 : memref<1x128xi32, #tpu.memory_space<vmem>> -> memref<128xi32, #tpu.memory_space<vmem>>
    %dma_start3A_806 = arith.constant 0 : i32
    %dma_start3A_807 = arith.constant 0 : i32
    %dma_start3A_808 = tpu.memref_slice %arg9[%dma_start3A_806, %dma_start3A_807] : memref<3072x64xf32, #tpu.memory_space<vmem_shared>> -> memref<3072x64xf32, #tpu.memory_space<vmem_shared>>
    tpu.enqueue_indirect_dma source(%dma_start3A_808 : memref<3072x64xf32, #tpu.memory_space<vmem_shared>>) target(%dma_start3A_802 : memref<128x64xf32, #tpu.memory_space<vmem>>) offsets(%dma_start3A_805 : memref<128xi32, #tpu.memory_space<vmem>>) semaphore(%arg10 : memref<!tpu.dma_semaphore, #tpu.memory_space<semaphore_mem>>)
    %dma_start3A_809 = arith.constant 2 : i32
    %dma_start3A_810 = arith.constant 0 : i32
    %dma_start3A_811 = arith.constant 0 : i32
    %dma_start3A_812 = arith.constant 0 : i32
    %dma_start3A_813 = tpu.memref_slice %arg8[%dma_start3A_810, %dma_start3A_811, %dma_start3A_812] : memref<4x128x64xf32, #tpu.memory_space<vmem>> -> memref<1x128x64xf32, #tpu.memory_space<vmem>>
    %dma_start3A_814 = tpu.memref_squeeze %dma_start3A_813 : memref<1x128x64xf32, #tpu.memory_space<vmem>> -> memref<128x64xf32, #tpu.memory_space<vmem>>
    %dma_start3A_815 = arith.constant 0 : i32
    %dma_start3A_816 = tpu.memref_slice %arg5[%dma_start3A_809, %dma_start3A_815] : memref<3x512xi32, #tpu.memory_space<vmem>> -> memref<1x128xi32, #tpu.memory_space<vmem>>
    %dma_start3A_817 = tpu.memref_squeeze %dma_start3A_816 : memref<1x128xi32, #tpu.memory_space<vmem>> -> memref<128xi32, #tpu.memory_space<vmem>>
    %dma_start3A_818 = arith.constant 0 : i32
    %dma_start3A_819 = arith.constant 0 : i32
    %dma_start3A_820 = tpu.memref_slice %arg9[%dma_start3A_818, %dma_start3A_819] : memref<3072x64xf32, #tpu.memory_space<vmem_shared>> -> memref<3072x64xf32, #tpu.memory_space<vmem_shared>>
    tpu.enqueue_indirect_dma source(%dma_start3A_820 : memref<3072x64xf32, #tpu.memory_space<vmem_shared>>) target(%dma_start3A_814 : memref<128x64xf32, #tpu.memory_space<vmem>>) offsets(%dma_start3A_817 : memref<128xi32, #tpu.memory_space<vmem>>) semaphore(%arg10 : memref<!tpu.dma_semaphore, #tpu.memory_space<semaphore_mem>>)
    %dma_start3A_821 = arith.constant 0 : i32
    %dma_start3A_822 = arith.constant 1 : i32
    %dma_start3A_823 = arith.constant 0 : i32
    %dma_start3A_824 = arith.constant 0 : i32
    %dma_start3A_825 = tpu.memref_slice %arg6[%dma_start3A_822, %dma_start3A_823, %dma_start3A_824] : memref<4x128x64xf32, #tpu.memory_space<vmem>> -> memref<1x128x64xf32, #tpu.memory_space<vmem>>
    %dma_start3A_826 = tpu.memref_squeeze %dma_start3A_825 : memref<1x128x64xf32, #tpu.memory_space<vmem>> -> memref<128x64xf32, #tpu.memory_space<vmem>>
    %dma_start3A_827 = arith.constant 128 : i32
    %dma_start3A_828 = tpu.memref_slice %arg5[%dma_start3A_821, %dma_start3A_827] : memref<3x512xi32, #tpu.memory_space<vmem>> -> memref<1x128xi32, #tpu.memory_space<vmem>>
    %dma_start3A_829 = tpu.memref_squeeze %dma_start3A_828 : memref<1x128xi32, #tpu.memory_space<vmem>> -> memref<128xi32, #tpu.memory_space<vmem>>
    %dma_start3A_830 = arith.constant 0 : i32
    %dma_start3A_831 = arith.constant 0 : i32
    %dma_start3A_832 = tpu.memref_slice %arg9[%dma_start3A_830, %dma_start3A_831] : memref<3072x64xf32, #tpu.memory_space<vmem_shared>> -> memref<3072x64xf32, #tpu.memory_space<vmem_shared>>
    tpu.enqueue_indirect_dma source(%dma_start3A_832 : memref<3072x64xf32, #tpu.memory_space<vmem_shared>>) target(%dma_start3A_826 : memref<128x64xf32, #tpu.memory_space<vmem>>) offsets(%dma_start3A_829 : memref<128xi32, #tpu.memory_space<vmem>>) semaphore(%arg10 : memref<!tpu.dma_semaphore, #tpu.memory_space<semaphore_mem>>)
    %dma_start3A_833 = arith.constant 1 : i32
    %dma_start3A_834 = arith.constant 1 : i32
    %dma_start3A_835 = arith.constant 0 : i32
    %dma_start3A_836 = arith.constant 0 : i32
    %dma_start3A_837 = tpu.memref_slice %arg7[%dma_start3A_834, %dma_start3A_835, %dma_start3A_836] : memref<4x128x64xf32, #tpu.memory_space<vmem>> -> memref<1x128x64xf32, #tpu.memory_space<vmem>>
    %dma_start3A_838 = tpu.memref_squeeze %dma_start3A_837 : memref<1x128x64xf32, #tpu.memory_space<vmem>> -> memref<128x64xf32, #tpu.memory_space<vmem>>
    %dma_start3A_839 = arith.constant 128 : i32
    %dma_start3A_840 = tpu.memref_slice %arg5[%dma_start3A_833, %dma_start3A_839] : memref<3x512xi32, #tpu.memory_space<vmem>> -> memref<1x128xi32, #tpu.memory_space<vmem>>
    %dma_start3A_841 = tpu.memref_squeeze %dma_start3A_840 : memref<1x128xi32, #tpu.memory_space<vmem>> -> memref<128xi32, #tpu.memory_space<vmem>>
    %dma_start3A_842 = arith.constant 0 : i32
    %dma_start3A_843 = arith.constant 0 : i32
    %dma_start3A_844 = tpu.memref_slice %arg9[%dma_start3A_842, %dma_start3A_843] : memref<3072x64xf32, #tpu.memory_space<vmem_shared>> -> memref<3072x64xf32, #tpu.memory_space<vmem_shared>>
    tpu.enqueue_indirect_dma source(%dma_start3A_844 : memref<3072x64xf32, #tpu.memory_space<vmem_shared>>) target(%dma_start3A_838 : memref<128x64xf32, #tpu.memory_space<vmem>>) offsets(%dma_start3A_841 : memref<128xi32, #tpu.memory_space<vmem>>) semaphore(%arg10 : memref<!tpu.dma_semaphore, #tpu.memory_space<semaphore_mem>>)
    %dma_start3A_845 = arith.constant 2 : i32
    %dma_start3A_846 = arith.constant 1 : i32
    %dma_start3A_847 = arith.constant 0 : i32
    %dma_start3A_848 = arith.constant 0 : i32
    %dma_start3A_849 = tpu.memref_slice %arg8[%dma_start3A_846, %dma_start3A_847, %dma_start3A_848] : memref<4x128x64xf32, #tpu.memory_space<vmem>> -> memref<1x128x64xf32, #tpu.memory_space<vmem>>
    %dma_start3A_850 = tpu.memref_squeeze %dma_start3A_849 : memref<1x128x64xf32, #tpu.memory_space<vmem>> -> memref<128x64xf32, #tpu.memory_space<vmem>>
    %dma_start3A_851 = arith.constant 128 : i32
    %dma_start3A_852 = tpu.memref_slice %arg5[%dma_start3A_845, %dma_start3A_851] : memref<3x512xi32, #tpu.memory_space<vmem>> -> memref<1x128xi32, #tpu.memory_space<vmem>>
    %dma_start3A_853 = tpu.memref_squeeze %dma_start3A_852 : memref<1x128xi32, #tpu.memory_space<vmem>> -> memref<128xi32, #tpu.memory_space<vmem>>
    %dma_start3A_854 = arith.constant 0 : i32
    %dma_start3A_855 = arith.constant 0 : i32
    %dma_start3A_856 = tpu.memref_slice %arg9[%dma_start3A_854, %dma_start3A_855] : memref<3072x64xf32, #tpu.memory_space<vmem_shared>> -> memref<3072x64xf32, #tpu.memory_space<vmem_shared>>
    tpu.enqueue_indirect_dma source(%dma_start3A_856 : memref<3072x64xf32, #tpu.memory_space<vmem_shared>>) target(%dma_start3A_850 : memref<128x64xf32, #tpu.memory_space<vmem>>) offsets(%dma_start3A_853 : memref<128xi32, #tpu.memory_space<vmem>>) semaphore(%arg10 : memref<!tpu.dma_semaphore, #tpu.memory_space<semaphore_mem>>)
    %dma_start3A_857 = arith.constant 0 : i32
    %dma_start3A_858 = arith.constant 2 : i32
    %dma_start3A_859 = arith.constant 0 : i32
    %dma_start3A_860 = arith.constant 0 : i32
    %dma_start3A_861 = tpu.memref_slice %arg6[%dma_start3A_858, %dma_start3A_859, %dma_start3A_860] : memref<4x128x64xf32, #tpu.memory_space<vmem>> -> memref<1x128x64xf32, #tpu.memory_space<vmem>>
    %dma_start3A_862 = tpu.memref_squeeze %dma_start3A_861 : memref<1x128x64xf32, #tpu.memory_space<vmem>> -> memref<128x64xf32, #tpu.memory_space<vmem>>
    %dma_start3A_863 = arith.constant 256 : i32
    %dma_start3A_864 = tpu.memref_slice %arg5[%dma_start3A_857, %dma_start3A_863] : memref<3x512xi32, #tpu.memory_space<vmem>> -> memref<1x128xi32, #tpu.memory_space<vmem>>
    %dma_start3A_865 = tpu.memref_squeeze %dma_start3A_864 : memref<1x128xi32, #tpu.memory_space<vmem>> -> memref<128xi32, #tpu.memory_space<vmem>>
    %dma_start3A_866 = arith.constant 0 : i32
    %dma_start3A_867 = arith.constant 0 : i32
    %dma_start3A_868 = tpu.memref_slice %arg9[%dma_start3A_866, %dma_start3A_867] : memref<3072x64xf32, #tpu.memory_space<vmem_shared>> -> memref<3072x64xf32, #tpu.memory_space<vmem_shared>>
    tpu.enqueue_indirect_dma source(%dma_start3A_868 : memref<3072x64xf32, #tpu.memory_space<vmem_shared>>) target(%dma_start3A_862 : memref<128x64xf32, #tpu.memory_space<vmem>>) offsets(%dma_start3A_865 : memref<128xi32, #tpu.memory_space<vmem>>) semaphore(%arg10 : memref<!tpu.dma_semaphore, #tpu.memory_space<semaphore_mem>>)
    %dma_start3A_869 = arith.constant 1 : i32
    %dma_start3A_870 = arith.constant 2 : i32
    %dma_start3A_871 = arith.constant 0 : i32
    %dma_start3A_872 = arith.constant 0 : i32
    %dma_start3A_873 = tpu.memref_slice %arg7[%dma_start3A_870, %dma_start3A_871, %dma_start3A_872] : memref<4x128x64xf32, #tpu.memory_space<vmem>> -> memref<1x128x64xf32, #tpu.memory_space<vmem>>
    %dma_start3A_874 = tpu.memref_squeeze %dma_start3A_873 : memref<1x128x64xf32, #tpu.memory_space<vmem>> -> memref<128x64xf32, #tpu.memory_space<vmem>>
    %dma_start3A_875 = arith.constant 256 : i32
    %dma_start3A_876 = tpu.memref_slice %arg5[%dma_start3A_869, %dma_start3A_875] : memref<3x512xi32, #tpu.memory_space<vmem>> -> memref<1x128xi32, #tpu.memory_space<vmem>>
    %dma_start3A_877 = tpu.memref_squeeze %dma_start3A_876 : memref<1x128xi32, #tpu.memory_space<vmem>> -> memref<128xi32, #tpu.memory_space<vmem>>
    %dma_start3A_878 = arith.constant 0 : i32
    %dma_start3A_879 = arith.constant 0 : i32
    %dma_start3A_880 = tpu.memref_slice %arg9[%dma_start3A_878, %dma_start3A_879] : memref<3072x64xf32, #tpu.memory_space<vmem_shared>> -> memref<3072x64xf32, #tpu.memory_space<vmem_shared>>
    tpu.enqueue_indirect_dma source(%dma_start3A_880 : memref<3072x64xf32, #tpu.memory_space<vmem_shared>>) target(%dma_start3A_874 : memref<128x64xf32, #tpu.memory_space<vmem>>) offsets(%dma_start3A_877 : memref<128xi32, #tpu.memory_space<vmem>>) semaphore(%arg10 : memref<!tpu.dma_semaphore, #tpu.memory_space<semaphore_mem>>)
    %dma_start3A_881 = arith.constant 2 : i32
    %dma_start3A_882 = arith.constant 2 : i32
    %dma_start3A_883 = arith.constant 0 : i32
    %dma_start3A_884 = arith.constant 0 : i32
    %dma_start3A_885 = tpu.memref_slice %arg8[%dma_start3A_882, %dma_start3A_883, %dma_start3A_884] : memref<4x128x64xf32, #tpu.memory_space<vmem>> -> memref<1x128x64xf32, #tpu.memory_space<vmem>>
    %dma_start3A_886 = tpu.memref_squeeze %dma_start3A_885 : memref<1x128x64xf32, #tpu.memory_space<vmem>> -> memref<128x64xf32, #tpu.memory_space<vmem>>
    %dma_start3A_887 = arith.constant 256 : i32
    %dma_start3A_888 = tpu.memref_slice %arg5[%dma_start3A_881, %dma_start3A_887] : memref<3x512xi32, #tpu.memory_space<vmem>> -> memref<1x128xi32, #tpu.memory_space<vmem>>
    %dma_start3A_889 = tpu.memref_squeeze %dma_start3A_888 : memref<1x128xi32, #tpu.memory_space<vmem>> -> memref<128xi32, #tpu.memory_space<vmem>>
    %dma_start3A_890 = arith.constant 0 : i32
    %dma_start3A_891 = arith.constant 0 : i32
    %dma_start3A_892 = tpu.memref_slice %arg9[%dma_start3A_890, %dma_start3A_891] : memref<3072x64xf32, #tpu.memory_space<vmem_shared>> -> memref<3072x64xf32, #tpu.memory_space<vmem_shared>>
    tpu.enqueue_indirect_dma source(%dma_start3A_892 : memref<3072x64xf32, #tpu.memory_space<vmem_shared>>) target(%dma_start3A_886 : memref<128x64xf32, #tpu.memory_space<vmem>>) offsets(%dma_start3A_889 : memref<128xi32, #tpu.memory_space<vmem>>) semaphore(%arg10 : memref<!tpu.dma_semaphore, #tpu.memory_space<semaphore_mem>>)
    %dma_start3A_893 = arith.constant 0 : i32
    %dma_start3A_894 = arith.constant 3 : i32
    %dma_start3A_895 = arith.constant 0 : i32
    %dma_start3A_896 = arith.constant 0 : i32
    %dma_start3A_897 = tpu.memref_slice %arg6[%dma_start3A_894, %dma_start3A_895, %dma_start3A_896] : memref<4x128x64xf32, #tpu.memory_space<vmem>> -> memref<1x128x64xf32, #tpu.memory_space<vmem>>
    %dma_start3A_898 = tpu.memref_squeeze %dma_start3A_897 : memref<1x128x64xf32, #tpu.memory_space<vmem>> -> memref<128x64xf32, #tpu.memory_space<vmem>>
    %dma_start3A_899 = arith.constant 384 : i32
    %dma_start3A_900 = tpu.memref_slice %arg5[%dma_start3A_893, %dma_start3A_899] : memref<3x512xi32, #tpu.memory_space<vmem>> -> memref<1x128xi32, #tpu.memory_space<vmem>>
    %dma_start3A_901 = tpu.memref_squeeze %dma_start3A_900 : memref<1x128xi32, #tpu.memory_space<vmem>> -> memref<128xi32, #tpu.memory_space<vmem>>
    %dma_start3A_902 = arith.constant 0 : i32
    %dma_start3A_903 = arith.constant 0 : i32
    %dma_start3A_904 = tpu.memref_slice %arg9[%dma_start3A_902, %dma_start3A_903] : memref<3072x64xf32, #tpu.memory_space<vmem_shared>> -> memref<3072x64xf32, #tpu.memory_space<vmem_shared>>
    tpu.enqueue_indirect_dma source(%dma_start3A_904 : memref<3072x64xf32, #tpu.memory_space<vmem_shared>>) target(%dma_start3A_898 : memref<128x64xf32, #tpu.memory_space<vmem>>) offsets(%dma_start3A_901 : memref<128xi32, #tpu.memory_space<vmem>>) semaphore(%arg10 : memref<!tpu.dma_semaphore, #tpu.memory_space<semaphore_mem>>)
    %dma_start3A_905 = arith.constant 1 : i32
    %dma_start3A_906 = arith.constant 3 : i32
    %dma_start3A_907 = arith.constant 0 : i32
    %dma_start3A_908 = arith.constant 0 : i32
    %dma_start3A_909 = tpu.memref_slice %arg7[%dma_start3A_906, %dma_start3A_907, %dma_start3A_908] : memref<4x128x64xf32, #tpu.memory_space<vmem>> -> memref<1x128x64xf32, #tpu.memory_space<vmem>>
    %dma_start3A_910 = tpu.memref_squeeze %dma_start3A_909 : memref<1x128x64xf32, #tpu.memory_space<vmem>> -> memref<128x64xf32, #tpu.memory_space<vmem>>
    %dma_start3A_911 = arith.constant 384 : i32
    %dma_start3A_912 = tpu.memref_slice %arg5[%dma_start3A_905, %dma_start3A_911] : memref<3x512xi32, #tpu.memory_space<vmem>> -> memref<1x128xi32, #tpu.memory_space<vmem>>
    %dma_start3A_913 = tpu.memref_squeeze %dma_start3A_912 : memref<1x128xi32, #tpu.memory_space<vmem>> -> memref<128xi32, #tpu.memory_space<vmem>>
    %dma_start3A_914 = arith.constant 0 : i32
    %dma_start3A_915 = arith.constant 0 : i32
    %dma_start3A_916 = tpu.memref_slice %arg9[%dma_start3A_914, %dma_start3A_915] : memref<3072x64xf32, #tpu.memory_space<vmem_shared>> -> memref<3072x64xf32, #tpu.memory_space<vmem_shared>>
    tpu.enqueue_indirect_dma source(%dma_start3A_916 : memref<3072x64xf32, #tpu.memory_space<vmem_shared>>) target(%dma_start3A_910 : memref<128x64xf32, #tpu.memory_space<vmem>>) offsets(%dma_start3A_913 : memref<128xi32, #tpu.memory_space<vmem>>) semaphore(%arg10 : memref<!tpu.dma_semaphore, #tpu.memory_space<semaphore_mem>>)
    %dma_start3A_917 = arith.constant 2 : i32
    %dma_start3A_918 = arith.constant 3 : i32
    %dma_start3A_919 = arith.constant 0 : i32
    %dma_start3A_920 = arith.constant 0 : i32
    %dma_start3A_921 = tpu.memref_slice %arg8[%dma_start3A_918, %dma_start3A_919, %dma_start3A_920] : memref<4x128x64xf32, #tpu.memory_space<vmem>> -> memref<1x128x64xf32, #tpu.memory_space<vmem>>
    %dma_start3A_922 = tpu.memref_squeeze %dma_start3A_921 : memref<1x128x64xf32, #tpu.memory_space<vmem>> -> memref<128x64xf32, #tpu.memory_space<vmem>>
    %dma_start3A_923 = arith.constant 384 : i32
    %dma_start3A_924 = tpu.memref_slice %arg5[%dma_start3A_917, %dma_start3A_923] : memref<3x512xi32, #tpu.memory_space<vmem>> -> memref<1x128xi32, #tpu.memory_space<vmem>>
    %dma_start3A_925 = tpu.memref_squeeze %dma_start3A_924 : memref<1x128xi32, #tpu.memory_space<vmem>> -> memref<128xi32, #tpu.memory_space<vmem>>
    %dma_start3A_926 = arith.constant 0 : i32
    %dma_start3A_927 = arith.constant 0 : i32
    %dma_start3A_928 = tpu.memref_slice %arg9[%dma_start3A_926, %dma_start3A_927] : memref<3072x64xf32, #tpu.memory_space<vmem_shared>> -> memref<3072x64xf32, #tpu.memory_space<vmem_shared>>
    tpu.enqueue_indirect_dma source(%dma_start3A_928 : memref<3072x64xf32, #tpu.memory_space<vmem_shared>>) target(%dma_start3A_922 : memref<128x64xf32, #tpu.memory_space<vmem>>) offsets(%dma_start3A_925 : memref<128xi32, #tpu.memory_space<vmem>>) semaphore(%arg10 : memref<!tpu.dma_semaphore, #tpu.memory_space<semaphore_mem>>)
    %dma_wait3A = arith.constant 0 : i32
    %dma_wait3A_929 = arith.constant 0 : i32
    %dma_wait3A_930 = arith.constant 0 : i32
    %dma_wait3A_931 = arith.constant 0 : i32
    %dma_wait3A_932 = tpu.memref_slice %arg6[%dma_wait3A_929, %dma_wait3A_930, %dma_wait3A_931] : memref<4x128x64xf32, #tpu.memory_space<vmem>> -> memref<1x128x64xf32, #tpu.memory_space<vmem>>
    %dma_wait3A_933 = tpu.memref_squeeze %dma_wait3A_932 : memref<1x128x64xf32, #tpu.memory_space<vmem>> -> memref<128x64xf32, #tpu.memory_space<vmem>>
    %dma_wait3A_934 = arith.constant 0 : i32
    %dma_wait3A_935 = tpu.memref_slice %arg5[%dma_wait3A, %dma_wait3A_934] : memref<3x512xi32, #tpu.memory_space<vmem>> -> memref<1x128xi32, #tpu.memory_space<vmem>>
    %dma_wait3A_936 = tpu.memref_squeeze %dma_wait3A_935 : memref<1x128xi32, #tpu.memory_space<vmem>> -> memref<128xi32, #tpu.memory_space<vmem>>
    %dma_wait3A_937 = arith.constant 0 : i32
    %dma_wait3A_938 = arith.constant 0 : i32
    %dma_wait3A_939 = tpu.memref_slice %arg9[%dma_wait3A_937, %dma_wait3A_938] : memref<3072x64xf32, #tpu.memory_space<vmem_shared>> -> memref<3072x64xf32, #tpu.memory_space<vmem_shared>>
    tpu.wait_indirect_dma semaphore(%arg10 : memref<!tpu.dma_semaphore, #tpu.memory_space<semaphore_mem>>) src(%dma_wait3A_939 : memref<3072x64xf32, #tpu.memory_space<vmem_shared>>) dst(%dma_wait3A_933 : memref<128x64xf32, #tpu.memory_space<vmem>>)
    %dma_wait3A_940 = arith.constant 1 : i32
    %dma_wait3A_941 = arith.constant 0 : i32
    %dma_wait3A_942 = arith.constant 0 : i32
    %dma_wait3A_943 = arith.constant 0 : i32
    %dma_wait3A_944 = tpu.memref_slice %arg7[%dma_wait3A_941, %dma_wait3A_942, %dma_wait3A_943] : memref<4x128x64xf32, #tpu.memory_space<vmem>> -> memref<1x128x64xf32, #tpu.memory_space<vmem>>
    %dma_wait3A_945 = tpu.memref_squeeze %dma_wait3A_944 : memref<1x128x64xf32, #tpu.memory_space<vmem>> -> memref<128x64xf32, #tpu.memory_space<vmem>>
    %dma_wait3A_946 = arith.constant 0 : i32
    %dma_wait3A_947 = tpu.memref_slice %arg5[%dma_wait3A_940, %dma_wait3A_946] : memref<3x512xi32, #tpu.memory_space<vmem>> -> memref<1x128xi32, #tpu.memory_space<vmem>>
    %dma_wait3A_948 = tpu.memref_squeeze %dma_wait3A_947 : memref<1x128xi32, #tpu.memory_space<vmem>> -> memref<128xi32, #tpu.memory_space<vmem>>
    %dma_wait3A_949 = arith.constant 0 : i32
    %dma_wait3A_950 = arith.constant 0 : i32
    %dma_wait3A_951 = tpu.memref_slice %arg9[%dma_wait3A_949, %dma_wait3A_950] : memref<3072x64xf32, #tpu.memory_space<vmem_shared>> -> memref<3072x64xf32, #tpu.memory_space<vmem_shared>>
    tpu.wait_indirect_dma semaphore(%arg10 : memref<!tpu.dma_semaphore, #tpu.memory_space<semaphore_mem>>) src(%dma_wait3A_951 : memref<3072x64xf32, #tpu.memory_space<vmem_shared>>) dst(%dma_wait3A_945 : memref<128x64xf32, #tpu.memory_space<vmem>>)
    %dma_wait3A_952 = arith.constant 2 : i32
    %dma_wait3A_953 = arith.constant 0 : i32
    %dma_wait3A_954 = arith.constant 0 : i32
    %dma_wait3A_955 = arith.constant 0 : i32
    %dma_wait3A_956 = tpu.memref_slice %arg8[%dma_wait3A_953, %dma_wait3A_954, %dma_wait3A_955] : memref<4x128x64xf32, #tpu.memory_space<vmem>> -> memref<1x128x64xf32, #tpu.memory_space<vmem>>
    %dma_wait3A_957 = tpu.memref_squeeze %dma_wait3A_956 : memref<1x128x64xf32, #tpu.memory_space<vmem>> -> memref<128x64xf32, #tpu.memory_space<vmem>>
    %dma_wait3A_958 = arith.constant 0 : i32
    %dma_wait3A_959 = tpu.memref_slice %arg5[%dma_wait3A_952, %dma_wait3A_958] : memref<3x512xi32, #tpu.memory_space<vmem>> -> memref<1x128xi32, #tpu.memory_space<vmem>>
    %dma_wait3A_960 = tpu.memref_squeeze %dma_wait3A_959 : memref<1x128xi32, #tpu.memory_space<vmem>> -> memref<128xi32, #tpu.memory_space<vmem>>
    %dma_wait3A_961 = arith.constant 0 : i32
    %dma_wait3A_962 = arith.constant 0 : i32
    %dma_wait3A_963 = tpu.memref_slice %arg9[%dma_wait3A_961, %dma_wait3A_962] : memref<3072x64xf32, #tpu.memory_space<vmem_shared>> -> memref<3072x64xf32, #tpu.memory_space<vmem_shared>>
    tpu.wait_indirect_dma semaphore(%arg10 : memref<!tpu.dma_semaphore, #tpu.memory_space<semaphore_mem>>) src(%dma_wait3A_963 : memref<3072x64xf32, #tpu.memory_space<vmem_shared>>) dst(%dma_wait3A_957 : memref<128x64xf32, #tpu.memory_space<vmem>>)
    %scan3A = arith.constant 0 : i32
    %scan3A_964 = arith.constant 0 : i32
    %scan3A_965 = arith.constant 128 : i32
    %scan3A_966 = arith.addi %scan3A_964, %scan3A_965 : i32
    %scan3A_967 = arith.constant 1 : i32
    scf.for %scan3A_1191 = %scan3A_964 to %scan3A_966 step %scan3A_967  : i32 {
      %get3A_1192 = arith.constant 0 : i32
      %get3A_1193 = arith.index_cast %get3A_1192 : i32 to index
      %get3A_1194 = arith.index_cast %scan3A_1191 : i32 to index
      %get3A_1195 = arith.constant 0 : index
      %get3A_1196 = tpu.vector_load %arg7[%get3A_1193, %get3A_1194, %get3A_1195] {strides = array<i32>} : memref<4x128x64xf32, #tpu.memory_space<vmem>>, vector<16xf32>,
      %get3A_1197 = arith.constant 0 : i32
      %get3A_1198 = arith.index_cast %get3A_1197 : i32 to index
      %get3A_1199 = arith.index_cast %scan3A_1191 : i32 to index
      %get3A_1200 = arith.constant 0 : index
      %get3A_1201 = tpu.vector_load %arg8[%get3A_1198, %get3A_1199, %get3A_1200] {strides = array<i32>} : memref<4x128x64xf32, #tpu.memory_space<vmem>>, vector<16xf32>,
      %add3A_1202 = arith.addf %get3A_1196, %get3A_1201 : vector<16xf32>
      %swap3A_1203 = arith.constant 0 : i32
      %swap3A_1204 = arith.index_cast %swap3A_1203 : i32 to index
      %swap3A_1205 = arith.index_cast %scan3A_1191 : i32 to index
      %swap3A_1206 = arith.constant 0 : index
      %swap3A_1207 = tpu.vector_load %arg6[%swap3A_1204, %swap3A_1205, %swap3A_1206] {strides = array<i32>} : memref<4x128x64xf32, #tpu.memory_space<vmem>>, vector<16xf32>,
      tpu.vector_store %arg6[%swap3A_1204, %swap3A_1205, %swap3A_1206], %add3A_1202 {add = true, strides = array<i32>} : memref<4x128x64xf32, #tpu.memory_space<vmem>>, vector<16xf32>,
      %get3A_1208 = arith.constant 0 : i32
      %get3A_1209 = arith.index_cast %get3A_1208 : i32 to index
      %get3A_1210 = arith.index_cast %scan3A_1191 : i32 to index
      %get3A_1211 = arith.constant 16 : index
      %get3A_1212 = tpu.vector_load %arg7[%get3A_1209, %get3A_1210, %get3A_1211] {strides = array<i32>} : memref<4x128x64xf32, #tpu.memory_space<vmem>>, vector<16xf32>,
      %get3A_1213 = arith.constant 0 : i32
      %get3A_1214 = arith.index_cast %get3A_1213 : i32 to index
      %get3A_1215 = arith.index_cast %scan3A_1191 : i32 to index
      %get3A_1216 = arith.constant 16 : index
      %get3A_1217 = tpu.vector_load %arg8[%get3A_1214, %get3A_1215, %get3A_1216] {strides = array<i32>} : memref<4x128x64xf32, #tpu.memory_space<vmem>>, vector<16xf32>,
      %add3A_1218 = arith.addf %get3A_1212, %get3A_1217 : vector<16xf32>
      %swap3A_1219 = arith.constant 0 : i32
      %swap3A_1220 = arith.index_cast %swap3A_1219 : i32 to index
      %swap3A_1221 = arith.index_cast %scan3A_1191 : i32 to index
      %swap3A_1222 = arith.constant 16 : index
      %swap3A_1223 = tpu.vector_load %arg6[%swap3A_1220, %swap3A_1221, %swap3A_1222] {strides = array<i32>} : memref<4x128x64xf32, #tpu.memory_space<vmem>>, vector<16xf32>,
      tpu.vector_store %arg6[%swap3A_1220, %swap3A_1221, %swap3A_1222], %add3A_1218 {add = true, strides = array<i32>} : memref<4x128x64xf32, #tpu.memory_space<vmem>>, vector<16xf32>,
      %get3A_1224 = arith.constant 0 : i32
      %get3A_1225 = arith.index_cast %get3A_1224 : i32 to index
      %get3A_1226 = arith.index_cast %scan3A_1191 : i32 to index
      %get3A_1227 = arith.constant 32 : index
      %get3A_1228 = tpu.vector_load %arg7[%get3A_1225, %get3A_1226, %get3A_1227] {strides = array<i32>} : memref<4x128x64xf32, #tpu.memory_space<vmem>>, vector<16xf32>,
      %get3A_1229 = arith.constant 0 : i32
      %get3A_1230 = arith.index_cast %get3A_1229 : i32 to index
      %get3A_1231 = arith.index_cast %scan3A_1191 : i32 to index
      %get3A_1232 = arith.constant 32 : index
      %get3A_1233 = tpu.vector_load %arg8[%get3A_1230, %get3A_1231, %get3A_1232] {strides = array<i32>} : memref<4x128x64xf32, #tpu.memory_space<vmem>>, vector<16xf32>,
      %add3A_1234 = arith.addf %get3A_1228, %get3A_1233 : vector<16xf32>
      %swap3A_1235 = arith.constant 0 : i32
      %swap3A_1236 = arith.index_cast %swap3A_1235 : i32 to index
      %swap3A_1237 = arith.index_cast %scan3A_1191 : i32 to index
      %swap3A_1238 = arith.constant 32 : index
      %swap3A_1239 = tpu.vector_load %arg6[%swap3A_1236, %swap3A_1237, %swap3A_1238] {strides = array<i32>} : memref<4x128x64xf32, #tpu.memory_space<vmem>>, vector<16xf32>,
      tpu.vector_store %arg6[%swap3A_1236, %swap3A_1237, %swap3A_1238], %add3A_1234 {add = true, strides = array<i32>} : memref<4x128x64xf32, #tpu.memory_space<vmem>>, vector<16xf32>,
      %get3A_1240 = arith.constant 0 : i32
      %get3A_1241 = arith.index_cast %get3A_1240 : i32 to index
      %get3A_1242 = arith.index_cast %scan3A_1191 : i32 to index
      %get3A_1243 = arith.constant 48 : index
      %get3A_1244 = tpu.vector_load %arg7[%get3A_1241, %get3A_1242, %get3A_1243] {strides = array<i32>} : memref<4x128x64xf32, #tpu.memory_space<vmem>>, vector<16xf32>,
      %get3A_1245 = arith.constant 0 : i32
      %get3A_1246 = arith.index_cast %get3A_1245 : i32 to index
      %get3A_1247 = arith.index_cast %scan3A_1191 : i32 to index
      %get3A_1248 = arith.constant 48 : index
      %get3A_1249 = tpu.vector_load %arg8[%get3A_1246, %get3A_1247, %get3A_1248] {strides = array<i32>} : memref<4x128x64xf32, #tpu.memory_space<vmem>>, vector<16xf32>,
      %add3A_1250 = arith.addf %get3A_1244, %get3A_1249 : vector<16xf32>
      %swap3A_1251 = arith.constant 0 : i32
      %swap3A_1252 = arith.index_cast %swap3A_1251 : i32 to index
      %swap3A_1253 = arith.index_cast %scan3A_1191 : i32 to index
      %swap3A_1254 = arith.constant 48 : index
      %swap3A_1255 = tpu.vector_load %arg6[%swap3A_1252, %swap3A_1253, %swap3A_1254] {strides = array<i32>} : memref<4x128x64xf32, #tpu.memory_space<vmem>>, vector<16xf32>,
      tpu.vector_store %arg6[%swap3A_1252, %swap3A_1253, %swap3A_1254], %add3A_1250 {add = true, strides = array<i32>} : memref<4x128x64xf32, #tpu.memory_space<vmem>>, vector<16xf32>,
    }
    %scan3A_968 = arith.constant 128 : i32
    %add3A_969 = arith.constant 0 : i32
    %add3A_970 = arith.addi %multiple_of3A_41, %add3A_969 : i32
    %dma_start3A_971 = arith.constant 0 : i32
    %dma_start3A_972 = arith.constant 0 : i32
    %dma_start3A_973 = arith.constant 0 : i32
    %dma_start3A_974 = tpu.memref_slice %arg6[%dma_start3A_971, %dma_start3A_972, %dma_start3A_973] : memref<4x128x64xf32, #tpu.memory_space<vmem>> -> memref<1x128x64xf32, #tpu.memory_space<vmem>>
    %dma_start3A_975 = tpu.memref_squeeze %dma_start3A_974 : memref<1x128x64xf32, #tpu.memory_space<vmem>> -> memref<128x64xf32, #tpu.memory_space<vmem>>
    %dma_start3A_976 = tpu.memref_slice %arg4[%add3A_970, %mul3A_83] : memref<8192x128xf32, #tpu.memory_space<hbm>> -> memref<128x64xf32, #tpu.memory_space<hbm>>
    %dma_start3A_977 = tpu.memref_slice %arg4[%add3A_970, %mul3A_83] : memref<8192x128xf32, #tpu.memory_space<hbm>> -> memref<128x64xf32, #tpu.memory_space<hbm>>
    %dma_start3A_978 = arith.constant 0 : i32
    %dma_start3A_979 = arith.constant 0 : i32
    %dma_start3A_980 = tpu.memref_slice %arg6[%dma_start3A_971, %dma_start3A_978, %dma_start3A_979] : memref<4x128x64xf32, #tpu.memory_space<vmem>> -> memref<1x128x64xf32, #tpu.memory_space<vmem>>
    %dma_start3A_981 = tpu.memref_squeeze %dma_start3A_980 : memref<1x128x64xf32, #tpu.memory_space<vmem>> -> memref<128x64xf32, #tpu.memory_space<vmem>>
    tpu.enqueue_dma source(%dma_start3A_981 : memref<128x64xf32, #tpu.memory_space<vmem>>) target(%dma_start3A_977 : memref<128x64xf32, #tpu.memory_space<hbm>>) target_semaphore(%arg11 : memref<!tpu.dma_semaphore, #tpu.memory_space<semaphore_mem>>)
    %dma_wait3A_982 = arith.constant 0 : i32
    %dma_wait3A_983 = arith.constant 1 : i32
    %dma_wait3A_984 = arith.constant 0 : i32
    %dma_wait3A_985 = arith.constant 0 : i32
    %dma_wait3A_986 = tpu.memref_slice %arg6[%dma_wait3A_983, %dma_wait3A_984, %dma_wait3A_985] : memref<4x128x64xf32, #tpu.memory_space<vmem>> -> memref<1x128x64xf32, #tpu.memory_space<vmem>>
    %dma_wait3A_987 = tpu.memref_squeeze %dma_wait3A_986 : memref<1x128x64xf32, #tpu.memory_space<vmem>> -> memref<128x64xf32, #tpu.memory_space<vmem>>
    %dma_wait3A_988 = arith.constant 128 : i32
    %dma_wait3A_989 = tpu.memref_slice %arg5[%dma_wait3A_982, %dma_wait3A_988] : memref<3x512xi32, #tpu.memory_space<vmem>> -> memref<1x128xi32, #tpu.memory_space<vmem>>
    %dma_wait3A_990 = tpu.memref_squeeze %dma_wait3A_989 : memref<1x128xi32, #tpu.memory_space<vmem>> -> memref<128xi32, #tpu.memory_space<vmem>>
    %dma_wait3A_991 = arith.constant 0 : i32
    %dma_wait3A_992 = arith.constant 0 : i32
    %dma_wait3A_993 = tpu.memref_slice %arg9[%dma_wait3A_991, %dma_wait3A_992] : memref<3072x64xf32, #tpu.memory_space<vmem_shared>> -> memref<3072x64xf32, #tpu.memory_space<vmem_shared>>
    tpu.wait_indirect_dma semaphore(%arg10 : memref<!tpu.dma_semaphore, #tpu.memory_space<semaphore_mem>>) src(%dma_wait3A_993 : memref<3072x64xf32, #tpu.memory_space<vmem_shared>>) dst(%dma_wait3A_987 : memref<128x64xf32, #tpu.memory_space<vmem>>)
    %dma_wait3A_994 = arith.constant 1 : i32
    %dma_wait3A_995 = arith.constant 1 : i32
    %dma_wait3A_996 = arith.constant 0 : i32
    %dma_wait3A_997 = arith.constant 0 : i32
    %dma_wait3A_998 = tpu.memref_slice %arg7[%dma_wait3A_995, %dma_wait3A_996, %dma_wait3A_997] : memref<4x128x64xf32, #tpu.memory_space<vmem>> -> memref<1x128x64xf32, #tpu.memory_space<vmem>>
    %dma_wait3A_999 = tpu.memref_squeeze %dma_wait3A_998 : memref<1x128x64xf32, #tpu.memory_space<vmem>> -> memref<128x64xf32, #tpu.memory_space<vmem>>
    %dma_wait3A_1000 = arith.constant 128 : i32
    %dma_wait3A_1001 = tpu.memref_slice %arg5[%dma_wait3A_994, %dma_wait3A_1000] : memref<3x512xi32, #tpu.memory_space<vmem>> -> memref<1x128xi32, #tpu.memory_space<vmem>>
    %dma_wait3A_1002 = tpu.memref_squeeze %dma_wait3A_1001 : memref<1x128xi32, #tpu.memory_space<vmem>> -> memref<128xi32, #tpu.memory_space<vmem>>
    %dma_wait3A_1003 = arith.constant 0 : i32
    %dma_wait3A_1004 = arith.constant 0 : i32
    %dma_wait3A_1005 = tpu.memref_slice %arg9[%dma_wait3A_1003, %dma_wait3A_1004] : memref<3072x64xf32, #tpu.memory_space<vmem_shared>> -> memref<3072x64xf32, #tpu.memory_space<vmem_shared>>
    tpu.wait_indirect_dma semaphore(%arg10 : memref<!tpu.dma_semaphore, #tpu.memory_space<semaphore_mem>>) src(%dma_wait3A_1005 : memref<3072x64xf32, #tpu.memory_space<vmem_shared>>) dst(%dma_wait3A_999 : memref<128x64xf32, #tpu.memory_space<vmem>>)
    %dma_wait3A_1006 = arith.constant 2 : i32
    %dma_wait3A_1007 = arith.constant 1 : i32
    %dma_wait3A_1008 = arith.constant 0 : i32
    %dma_wait3A_1009 = arith.constant 0 : i32
    %dma_wait3A_1010 = tpu.memref_slice %arg8[%dma_wait3A_1007, %dma_wait3A_1008, %dma_wait3A_1009] : memref<4x128x64xf32, #tpu.memory_space<vmem>> -> memref<1x128x64xf32, #tpu.memory_space<vmem>>
    %dma_wait3A_1011 = tpu.memref_squeeze %dma_wait3A_1010 : memref<1x128x64xf32, #tpu.memory_space<vmem>> -> memref<128x64xf32, #tpu.memory_space<vmem>>
    %dma_wait3A_1012 = arith.constant 128 : i32
    %dma_wait3A_1013 = tpu.memref_slice %arg5[%dma_wait3A_1006, %dma_wait3A_1012] : memref<3x512xi32, #tpu.memory_space<vmem>> -> memref<1x128xi32, #tpu.memory_space<vmem>>
    %dma_wait3A_1014 = tpu.memref_squeeze %dma_wait3A_1013 : memref<1x128xi32, #tpu.memory_space<vmem>> -> memref<128xi32, #tpu.memory_space<vmem>>
    %dma_wait3A_1015 = arith.constant 0 : i32
    %dma_wait3A_1016 = arith.constant 0 : i32
    %dma_wait3A_1017 = tpu.memref_slice %arg9[%dma_wait3A_1015, %dma_wait3A_1016] : memref<3072x64xf32, #tpu.memory_space<vmem_shared>> -> memref<3072x64xf32, #tpu.memory_space<vmem_shared>>
    tpu.wait_indirect_dma semaphore(%arg10 : memref<!tpu.dma_semaphore, #tpu.memory_space<semaphore_mem>>) src(%dma_wait3A_1017 : memref<3072x64xf32, #tpu.memory_space<vmem_shared>>) dst(%dma_wait3A_1011 : memref<128x64xf32, #tpu.memory_space<vmem>>)
    %scan3A_1018 = arith.constant 0 : i32
    %scan3A_1019 = arith.constant 0 : i32
    %scan3A_1020 = arith.constant 128 : i32
    %scan3A_1021 = arith.addi %scan3A_1019, %scan3A_1020 : i32
    %scan3A_1022 = arith.constant 1 : i32
    scf.for %scan3A_1191 = %scan3A_1019 to %scan3A_1021 step %scan3A_1022  : i32 {
      %get3A_1192 = arith.constant 1 : i32
      %get3A_1193 = arith.index_cast %get3A_1192 : i32 to index
      %get3A_1194 = arith.index_cast %scan3A_1191 : i32 to index
      %get3A_1195 = arith.constant 0 : index
      %get3A_1196 = tpu.vector_load %arg7[%get3A_1193, %get3A_1194, %get3A_1195] {strides = array<i32>} : memref<4x128x64xf32, #tpu.memory_space<vmem>>, vector<16xf32>,
      %get3A_1197 = arith.constant 1 : i32
      %get3A_1198 = arith.index_cast %get3A_1197 : i32 to index
      %get3A_1199 = arith.index_cast %scan3A_1191 : i32 to index
      %get3A_1200 = arith.constant 0 : index
      %get3A_1201 = tpu.vector_load %arg8[%get3A_1198, %get3A_1199, %get3A_1200] {strides = array<i32>} : memref<4x128x64xf32, #tpu.memory_space<vmem>>, vector<16xf32>,
      %add3A_1202 = arith.addf %get3A_1196, %get3A_1201 : vector<16xf32>
      %swap3A_1203 = arith.constant 1 : i32
      %swap3A_1204 = arith.index_cast %swap3A_1203 : i32 to index
      %swap3A_1205 = arith.index_cast %scan3A_1191 : i32 to index
      %swap3A_1206 = arith.constant 0 : index
      %swap3A_1207 = tpu.vector_load %arg6[%swap3A_1204, %swap3A_1205, %swap3A_1206] {strides = array<i32>} : memref<4x128x64xf32, #tpu.memory_space<vmem>>, vector<16xf32>,
      tpu.vector_store %arg6[%swap3A_1204, %swap3A_1205, %swap3A_1206], %add3A_1202 {add = true, strides = array<i32>} : memref<4x128x64xf32, #tpu.memory_space<vmem>>, vector<16xf32>,
      %get3A_1208 = arith.constant 1 : i32
      %get3A_1209 = arith.index_cast %get3A_1208 : i32 to index
      %get3A_1210 = arith.index_cast %scan3A_1191 : i32 to index
      %get3A_1211 = arith.constant 16 : index
      %get3A_1212 = tpu.vector_load %arg7[%get3A_1209, %get3A_1210, %get3A_1211] {strides = array<i32>} : memref<4x128x64xf32, #tpu.memory_space<vmem>>, vector<16xf32>,
      %get3A_1213 = arith.constant 1 : i32
      %get3A_1214 = arith.index_cast %get3A_1213 : i32 to index
      %get3A_1215 = arith.index_cast %scan3A_1191 : i32 to index
      %get3A_1216 = arith.constant 16 : index
      %get3A_1217 = tpu.vector_load %arg8[%get3A_1214, %get3A_1215, %get3A_1216] {strides = array<i32>} : memref<4x128x64xf32, #tpu.memory_space<vmem>>, vector<16xf32>,
      %add3A_1218 = arith.addf %get3A_1212, %get3A_1217 : vector<16xf32>
      %swap3A_1219 = arith.constant 1 : i32
      %swap3A_1220 = arith.index_cast %swap3A_1219 : i32 to index
      %swap3A_1221 = arith.index_cast %scan3A_1191 : i32 to index
      %swap3A_1222 = arith.constant 16 : index
      %swap3A_1223 = tpu.vector_load %arg6[%swap3A_1220, %swap3A_1221, %swap3A_1222] {strides = array<i32>} : memref<4x128x64xf32, #tpu.memory_space<vmem>>, vector<16xf32>,
      tpu.vector_store %arg6[%swap3A_1220, %swap3A_1221, %swap3A_1222], %add3A_1218 {add = true, strides = array<i32>} : memref<4x128x64xf32, #tpu.memory_space<vmem>>, vector<16xf32>,
      %get3A_1224 = arith.constant 1 : i32
      %get3A_1225 = arith.index_cast %get3A_1224 : i32 to index
      %get3A_1226 = arith.index_cast %scan3A_1191 : i32 to index
      %get3A_1227 = arith.constant 32 : index
      %get3A_1228 = tpu.vector_load %arg7[%get3A_1225, %get3A_1226, %get3A_1227] {strides = array<i32>} : memref<4x128x64xf32, #tpu.memory_space<vmem>>, vector<16xf32>,
      %get3A_1229 = arith.constant 1 : i32
      %get3A_1230 = arith.index_cast %get3A_1229 : i32 to index
      %get3A_1231 = arith.index_cast %scan3A_1191 : i32 to index
      %get3A_1232 = arith.constant 32 : index
      %get3A_1233 = tpu.vector_load %arg8[%get3A_1230, %get3A_1231, %get3A_1232] {strides = array<i32>} : memref<4x128x64xf32, #tpu.memory_space<vmem>>, vector<16xf32>,
      %add3A_1234 = arith.addf %get3A_1228, %get3A_1233 : vector<16xf32>
      %swap3A_1235 = arith.constant 1 : i32
      %swap3A_1236 = arith.index_cast %swap3A_1235 : i32 to index
      %swap3A_1237 = arith.index_cast %scan3A_1191 : i32 to index
      %swap3A_1238 = arith.constant 32 : index
      %swap3A_1239 = tpu.vector_load %arg6[%swap3A_1236, %swap3A_1237, %swap3A_1238] {strides = array<i32>} : memref<4x128x64xf32, #tpu.memory_space<vmem>>, vector<16xf32>,
      tpu.vector_store %arg6[%swap3A_1236, %swap3A_1237, %swap3A_1238], %add3A_1234 {add = true, strides = array<i32>} : memref<4x128x64xf32, #tpu.memory_space<vmem>>, vector<16xf32>,
      %get3A_1240 = arith.constant 1 : i32
      %get3A_1241 = arith.index_cast %get3A_1240 : i32 to index
      %get3A_1242 = arith.index_cast %scan3A_1191 : i32 to index
      %get3A_1243 = arith.constant 48 : index
      %get3A_1244 = tpu.vector_load %arg7[%get3A_1241, %get3A_1242, %get3A_1243] {strides = array<i32>} : memref<4x128x64xf32, #tpu.memory_space<vmem>>, vector<16xf32>,
      %get3A_1245 = arith.constant 1 : i32
      %get3A_1246 = arith.index_cast %get3A_1245 : i32 to index
      %get3A_1247 = arith.index_cast %scan3A_1191 : i32 to index
      %get3A_1248 = arith.constant 48 : index
      %get3A_1249 = tpu.vector_load %arg8[%get3A_1246, %get3A_1247, %get3A_1248] {strides = array<i32>} : memref<4x128x64xf32, #tpu.memory_space<vmem>>, vector<16xf32>,
      %add3A_1250 = arith.addf %get3A_1244, %get3A_1249 : vector<16xf32>
      %swap3A_1251 = arith.constant 1 : i32
      %swap3A_1252 = arith.index_cast %swap3A_1251 : i32 to index
      %swap3A_1253 = arith.index_cast %scan3A_1191 : i32 to index
      %swap3A_1254 = arith.constant 48 : index
      %swap3A_1255 = tpu.vector_load %arg6[%swap3A_1252, %swap3A_1253, %swap3A_1254] {strides = array<i32>} : memref<4x128x64xf32, #tpu.memory_space<vmem>>, vector<16xf32>,
      tpu.vector_store %arg6[%swap3A_1252, %swap3A_1253, %swap3A_1254], %add3A_1250 {add = true, strides = array<i32>} : memref<4x128x64xf32, #tpu.memory_space<vmem>>, vector<16xf32>,
    }
    %scan3A_1023 = arith.constant 128 : i32
    %add3A_1024 = arith.constant 128 : i32
    %add3A_1025 = arith.addi %multiple_of3A_41, %add3A_1024 : i32
    %dma_start3A_1026 = arith.constant 1 : i32
    %dma_start3A_1027 = arith.constant 0 : i32
    %dma_start3A_1028 = arith.constant 0 : i32
    %dma_start3A_1029 = tpu.memref_slice %arg6[%dma_start3A_1026, %dma_start3A_1027, %dma_start3A_1028] : memref<4x128x64xf32, #tpu.memory_space<vmem>> -> memref<1x128x64xf32, #tpu.memory_space<vmem>>
    %dma_start3A_1030 = tpu.memref_squeeze %dma_start3A_1029 : memref<1x128x64xf32, #tpu.memory_space<vmem>> -> memref<128x64xf32, #tpu.memory_space<vmem>>
    %dma_start3A_1031 = tpu.memref_slice %arg4[%add3A_1025, %mul3A_83] : memref<8192x128xf32, #tpu.memory_space<hbm>> -> memref<128x64xf32, #tpu.memory_space<hbm>>
    %dma_start3A_1032 = tpu.memref_slice %arg4[%add3A_1025, %mul3A_83] : memref<8192x128xf32, #tpu.memory_space<hbm>> -> memref<128x64xf32, #tpu.memory_space<hbm>>
    %dma_start3A_1033 = arith.constant 0 : i32
    %dma_start3A_1034 = arith.constant 0 : i32
    %dma_start3A_1035 = tpu.memref_slice %arg6[%dma_start3A_1026, %dma_start3A_1033, %dma_start3A_1034] : memref<4x128x64xf32, #tpu.memory_space<vmem>> -> memref<1x128x64xf32, #tpu.memory_space<vmem>>
    %dma_start3A_1036 = tpu.memref_squeeze %dma_start3A_1035 : memref<1x128x64xf32, #tpu.memory_space<vmem>> -> memref<128x64xf32, #tpu.memory_space<vmem>>
    tpu.enqueue_dma source(%dma_start3A_1036 : memref<128x64xf32, #tpu.memory_space<vmem>>) target(%dma_start3A_1032 : memref<128x64xf32, #tpu.memory_space<hbm>>) target_semaphore(%arg11 : memref<!tpu.dma_semaphore, #tpu.memory_space<semaphore_mem>>)
    %dma_wait3A_1037 = arith.constant 0 : i32
    %dma_wait3A_1038 = arith.constant 2 : i32
    %dma_wait3A_1039 = arith.constant 0 : i32
    %dma_wait3A_1040 = arith.constant 0 : i32
    %dma_wait3A_1041 = tpu.memref_slice %arg6[%dma_wait3A_1038, %dma_wait3A_1039, %dma_wait3A_1040] : memref<4x128x64xf32, #tpu.memory_space<vmem>> -> memref<1x128x64xf32, #tpu.memory_space<vmem>>
    %dma_wait3A_1042 = tpu.memref_squeeze %dma_wait3A_1041 : memref<1x128x64xf32, #tpu.memory_space<vmem>> -> memref<128x64xf32, #tpu.memory_space<vmem>>
    %dma_wait3A_1043 = arith.constant 256 : i32
    %dma_wait3A_1044 = tpu.memref_slice %arg5[%dma_wait3A_1037, %dma_wait3A_1043] : memref<3x512xi32, #tpu.memory_space<vmem>> -> memref<1x128xi32, #tpu.memory_space<vmem>>
    %dma_wait3A_1045 = tpu.memref_squeeze %dma_wait3A_1044 : memref<1x128xi32, #tpu.memory_space<vmem>> -> memref<128xi32, #tpu.memory_space<vmem>>
    %dma_wait3A_1046 = arith.constant 0 : i32
    %dma_wait3A_1047 = arith.constant 0 : i32
    %dma_wait3A_1048 = tpu.memref_slice %arg9[%dma_wait3A_1046, %dma_wait3A_1047] : memref<3072x64xf32, #tpu.memory_space<vmem_shared>> -> memref<3072x64xf32, #tpu.memory_space<vmem_shared>>
    tpu.wait_indirect_dma semaphore(%arg10 : memref<!tpu.dma_semaphore, #tpu.memory_space<semaphore_mem>>) src(%dma_wait3A_1048 : memref<3072x64xf32, #tpu.memory_space<vmem_shared>>) dst(%dma_wait3A_1042 : memref<128x64xf32, #tpu.memory_space<vmem>>)
    %dma_wait3A_1049 = arith.constant 1 : i32
    %dma_wait3A_1050 = arith.constant 2 : i32
    %dma_wait3A_1051 = arith.constant 0 : i32
    %dma_wait3A_1052 = arith.constant 0 : i32
    %dma_wait3A_1053 = tpu.memref_slice %arg7[%dma_wait3A_1050, %dma_wait3A_1051, %dma_wait3A_1052] : memref<4x128x64xf32, #tpu.memory_space<vmem>> -> memref<1x128x64xf32, #tpu.memory_space<vmem>>
    %dma_wait3A_1054 = tpu.memref_squeeze %dma_wait3A_1053 : memref<1x128x64xf32, #tpu.memory_space<vmem>> -> memref<128x64xf32, #tpu.memory_space<vmem>>
    %dma_wait3A_1055 = arith.constant 256 : i32
    %dma_wait3A_1056 = tpu.memref_slice %arg5[%dma_wait3A_1049, %dma_wait3A_1055] : memref<3x512xi32, #tpu.memory_space<vmem>> -> memref<1x128xi32, #tpu.memory_space<vmem>>
    %dma_wait3A_1057 = tpu.memref_squeeze %dma_wait3A_1056 : memref<1x128xi32, #tpu.memory_space<vmem>> -> memref<128xi32, #tpu.memory_space<vmem>>
    %dma_wait3A_1058 = arith.constant 0 : i32
    %dma_wait3A_1059 = arith.constant 0 : i32
    %dma_wait3A_1060 = tpu.memref_slice %arg9[%dma_wait3A_1058, %dma_wait3A_1059] : memref<3072x64xf32, #tpu.memory_space<vmem_shared>> -> memref<3072x64xf32, #tpu.memory_space<vmem_shared>>
    tpu.wait_indirect_dma semaphore(%arg10 : memref<!tpu.dma_semaphore, #tpu.memory_space<semaphore_mem>>) src(%dma_wait3A_1060 : memref<3072x64xf32, #tpu.memory_space<vmem_shared>>) dst(%dma_wait3A_1054 : memref<128x64xf32, #tpu.memory_space<vmem>>)
    %dma_wait3A_1061 = arith.constant 2 : i32
    %dma_wait3A_1062 = arith.constant 2 : i32
    %dma_wait3A_1063 = arith.constant 0 : i32
    %dma_wait3A_1064 = arith.constant 0 : i32
    %dma_wait3A_1065 = tpu.memref_slice %arg8[%dma_wait3A_1062, %dma_wait3A_1063, %dma_wait3A_1064] : memref<4x128x64xf32, #tpu.memory_space<vmem>> -> memref<1x128x64xf32, #tpu.memory_space<vmem>>
    %dma_wait3A_1066 = tpu.memref_squeeze %dma_wait3A_1065 : memref<1x128x64xf32, #tpu.memory_space<vmem>> -> memref<128x64xf32, #tpu.memory_space<vmem>>
    %dma_wait3A_1067 = arith.constant 256 : i32
    %dma_wait3A_1068 = tpu.memref_slice %arg5[%dma_wait3A_1061, %dma_wait3A_1067] : memref<3x512xi32, #tpu.memory_space<vmem>> -> memref<1x128xi32, #tpu.memory_space<vmem>>
    %dma_wait3A_1069 = tpu.memref_squeeze %dma_wait3A_1068 : memref<1x128xi32, #tpu.memory_space<vmem>> -> memref<128xi32, #tpu.memory_space<vmem>>
    %dma_wait3A_1070 = arith.constant 0 : i32
    %dma_wait3A_1071 = arith.constant 0 : i32
    %dma_wait3A_1072 = tpu.memref_slice %arg9[%dma_wait3A_1070, %dma_wait3A_1071] : memref<3072x64xf32, #tpu.memory_space<vmem_shared>> -> memref<3072x64xf32, #tpu.memory_space<vmem_shared>>
    tpu.wait_indirect_dma semaphore(%arg10 : memref<!tpu.dma_semaphore, #tpu.memory_space<semaphore_mem>>) src(%dma_wait3A_1072 : memref<3072x64xf32, #tpu.memory_space<vmem_shared>>) dst(%dma_wait3A_1066 : memref<128x64xf32, #tpu.memory_space<vmem>>)
    %scan3A_1073 = arith.constant 0 : i32
    %scan3A_1074 = arith.constant 0 : i32
    %scan3A_1075 = arith.constant 128 : i32
    %scan3A_1076 = arith.addi %scan3A_1074, %scan3A_1075 : i32
    %scan3A_1077 = arith.constant 1 : i32
    scf.for %scan3A_1191 = %scan3A_1074 to %scan3A_1076 step %scan3A_1077  : i32 {
      %get3A_1192 = arith.constant 2 : i32
      %get3A_1193 = arith.index_cast %get3A_1192 : i32 to index
      %get3A_1194 = arith.index_cast %scan3A_1191 : i32 to index
      %get3A_1195 = arith.constant 0 : index
      %get3A_1196 = tpu.vector_load %arg7[%get3A_1193, %get3A_1194, %get3A_1195] {strides = array<i32>} : memref<4x128x64xf32, #tpu.memory_space<vmem>>, vector<16xf32>,
      %get3A_1197 = arith.constant 2 : i32
      %get3A_1198 = arith.index_cast %get3A_1197 : i32 to index
      %get3A_1199 = arith.index_cast %scan3A_1191 : i32 to index
      %get3A_1200 = arith.constant 0 : index
      %get3A_1201 = tpu.vector_load %arg8[%get3A_1198, %get3A_1199, %get3A_1200] {strides = array<i32>} : memref<4x128x64xf32, #tpu.memory_space<vmem>>, vector<16xf32>,
      %add3A_1202 = arith.addf %get3A_1196, %get3A_1201 : vector<16xf32>
      %swap3A_1203 = arith.constant 2 : i32
      %swap3A_1204 = arith.index_cast %swap3A_1203 : i32 to index
      %swap3A_1205 = arith.index_cast %scan3A_1191 : i32 to index
      %swap3A_1206 = arith.constant 0 : index
      %swap3A_1207 = tpu.vector_load %arg6[%swap3A_1204, %swap3A_1205, %swap3A_1206] {strides = array<i32>} : memref<4x128x64xf32, #tpu.memory_space<vmem>>, vector<16xf32>,
      tpu.vector_store %arg6[%swap3A_1204, %swap3A_1205, %swap3A_1206], %add3A_1202 {add = true, strides = array<i32>} : memref<4x128x64xf32, #tpu.memory_space<vmem>>, vector<16xf32>,
      %get3A_1208 = arith.constant 2 : i32
      %get3A_1209 = arith.index_cast %get3A_1208 : i32 to index
      %get3A_1210 = arith.index_cast %scan3A_1191 : i32 to index
      %get3A_1211 = arith.constant 16 : index
      %get3A_1212 = tpu.vector_load %arg7[%get3A_1209, %get3A_1210, %get3A_1211] {strides = array<i32>} : memref<4x128x64xf32, #tpu.memory_space<vmem>>, vector<16xf32>,
      %get3A_1213 = arith.constant 2 : i32
      %get3A_1214 = arith.index_cast %get3A_1213 : i32 to index
      %get3A_1215 = arith.index_cast %scan3A_1191 : i32 to index
      %get3A_1216 = arith.constant 16 : index
      %get3A_1217 = tpu.vector_load %arg8[%get3A_1214, %get3A_1215, %get3A_1216] {strides = array<i32>} : memref<4x128x64xf32, #tpu.memory_space<vmem>>, vector<16xf32>,
      %add3A_1218 = arith.addf %get3A_1212, %get3A_1217 : vector<16xf32>
      %swap3A_1219 = arith.constant 2 : i32
      %swap3A_1220 = arith.index_cast %swap3A_1219 : i32 to index
      %swap3A_1221 = arith.index_cast %scan3A_1191 : i32 to index
      %swap3A_1222 = arith.constant 16 : index
      %swap3A_1223 = tpu.vector_load %arg6[%swap3A_1220, %swap3A_1221, %swap3A_1222] {strides = array<i32>} : memref<4x128x64xf32, #tpu.memory_space<vmem>>, vector<16xf32>,
      tpu.vector_store %arg6[%swap3A_1220, %swap3A_1221, %swap3A_1222], %add3A_1218 {add = true, strides = array<i32>} : memref<4x128x64xf32, #tpu.memory_space<vmem>>, vector<16xf32>,
      %get3A_1224 = arith.constant 2 : i32
      %get3A_1225 = arith.index_cast %get3A_1224 : i32 to index
      %get3A_1226 = arith.index_cast %scan3A_1191 : i32 to index
      %get3A_1227 = arith.constant 32 : index
      %get3A_1228 = tpu.vector_load %arg7[%get3A_1225, %get3A_1226, %get3A_1227] {strides = array<i32>} : memref<4x128x64xf32, #tpu.memory_space<vmem>>, vector<16xf32>,
      %get3A_1229 = arith.constant 2 : i32
      %get3A_1230 = arith.index_cast %get3A_1229 : i32 to index
      %get3A_1231 = arith.index_cast %scan3A_1191 : i32 to index
      %get3A_1232 = arith.constant 32 : index
      %get3A_1233 = tpu.vector_load %arg8[%get3A_1230, %get3A_1231, %get3A_1232] {strides = array<i32>} : memref<4x128x64xf32, #tpu.memory_space<vmem>>, vector<16xf32>,
      %add3A_1234 = arith.addf %get3A_1228, %get3A_1233 : vector<16xf32>
      %swap3A_1235 = arith.constant 2 : i32
      %swap3A_1236 = arith.index_cast %swap3A_1235 : i32 to index
      %swap3A_1237 = arith.index_cast %scan3A_1191 : i32 to index
      %swap3A_1238 = arith.constant 32 : index
      %swap3A_1239 = tpu.vector_load %arg6[%swap3A_1236, %swap3A_1237, %swap3A_1238] {strides = array<i32>} : memref<4x128x64xf32, #tpu.memory_space<vmem>>, vector<16xf32>,
      tpu.vector_store %arg6[%swap3A_1236, %swap3A_1237, %swap3A_1238], %add3A_1234 {add = true, strides = array<i32>} : memref<4x128x64xf32, #tpu.memory_space<vmem>>, vector<16xf32>,
      %get3A_1240 = arith.constant 2 : i32
      %get3A_1241 = arith.index_cast %get3A_1240 : i32 to index
      %get3A_1242 = arith.index_cast %scan3A_1191 : i32 to index
      %get3A_1243 = arith.constant 48 : index
      %get3A_1244 = tpu.vector_load %arg7[%get3A_1241, %get3A_1242, %get3A_1243] {strides = array<i32>} : memref<4x128x64xf32, #tpu.memory_space<vmem>>, vector<16xf32>,
      %get3A_1245 = arith.constant 2 : i32
      %get3A_1246 = arith.index_cast %get3A_1245 : i32 to index
      %get3A_1247 = arith.index_cast %scan3A_1191 : i32 to index
      %get3A_1248 = arith.constant 48 : index
      %get3A_1249 = tpu.vector_load %arg8[%get3A_1246, %get3A_1247, %get3A_1248] {strides = array<i32>} : memref<4x128x64xf32, #tpu.memory_space<vmem>>, vector<16xf32>,
      %add3A_1250 = arith.addf %get3A_1244, %get3A_1249 : vector<16xf32>
      %swap3A_1251 = arith.constant 2 : i32
      %swap3A_1252 = arith.index_cast %swap3A_1251 : i32 to index
      %swap3A_1253 = arith.index_cast %scan3A_1191 : i32 to index
      %swap3A_1254 = arith.constant 48 : index
      %swap3A_1255 = tpu.vector_load %arg6[%swap3A_1252, %swap3A_1253, %swap3A_1254] {strides = array<i32>} : memref<4x128x64xf32, #tpu.memory_space<vmem>>, vector<16xf32>,
      tpu.vector_store %arg6[%swap3A_1252, %swap3A_1253, %swap3A_1254], %add3A_1250 {add = true, strides = array<i32>} : memref<4x128x64xf32, #tpu.memory_space<vmem>>, vector<16xf32>,
    }
    %scan3A_1078 = arith.constant 128 : i32
    %add3A_1079 = arith.constant 256 : i32
    %add3A_1080 = arith.addi %multiple_of3A_41, %add3A_1079 : i32
    %dma_start3A_1081 = arith.constant 2 : i32
    %dma_start3A_1082 = arith.constant 0 : i32
    %dma_start3A_1083 = arith.constant 0 : i32
    %dma_start3A_1084 = tpu.memref_slice %arg6[%dma_start3A_1081, %dma_start3A_1082, %dma_start3A_1083] : memref<4x128x64xf32, #tpu.memory_space<vmem>> -> memref<1x128x64xf32, #tpu.memory_space<vmem>>
    %dma_start3A_1085 = tpu.memref_squeeze %dma_start3A_1084 : memref<1x128x64xf32, #tpu.memory_space<vmem>> -> memref<128x64xf32, #tpu.memory_space<vmem>>
    %dma_start3A_1086 = tpu.memref_slice %arg4[%add3A_1080, %mul3A_83] : memref<8192x128xf32, #tpu.memory_space<hbm>> -> memref<128x64xf32, #tpu.memory_space<hbm>>
    %dma_start3A_1087 = tpu.memref_slice %arg4[%add3A_1080, %mul3A_83] : memref<8192x128xf32, #tpu.memory_space<hbm>> -> memref<128x64xf32, #tpu.memory_space<hbm>>
    %dma_start3A_1088 = arith.constant 0 : i32
    %dma_start3A_1089 = arith.constant 0 : i32
    %dma_start3A_1090 = tpu.memref_slice %arg6[%dma_start3A_1081, %dma_start3A_1088, %dma_start3A_1089] : memref<4x128x64xf32, #tpu.memory_space<vmem>> -> memref<1x128x64xf32, #tpu.memory_space<vmem>>
    %dma_start3A_1091 = tpu.memref_squeeze %dma_start3A_1090 : memref<1x128x64xf32, #tpu.memory_space<vmem>> -> memref<128x64xf32, #tpu.memory_space<vmem>>
    tpu.enqueue_dma source(%dma_start3A_1091 : memref<128x64xf32, #tpu.memory_space<vmem>>) target(%dma_start3A_1087 : memref<128x64xf32, #tpu.memory_space<hbm>>) target_semaphore(%arg11 : memref<!tpu.dma_semaphore, #tpu.memory_space<semaphore_mem>>)
    %dma_wait3A_1092 = arith.constant 0 : i32
    %dma_wait3A_1093 = arith.constant 3 : i32
    %dma_wait3A_1094 = arith.constant 0 : i32
    %dma_wait3A_1095 = arith.constant 0 : i32
    %dma_wait3A_1096 = tpu.memref_slice %arg6[%dma_wait3A_1093, %dma_wait3A_1094, %dma_wait3A_1095] : memref<4x128x64xf32, #tpu.memory_space<vmem>> -> memref<1x128x64xf32, #tpu.memory_space<vmem>>
    %dma_wait3A_1097 = tpu.memref_squeeze %dma_wait3A_1096 : memref<1x128x64xf32, #tpu.memory_space<vmem>> -> memref<128x64xf32, #tpu.memory_space<vmem>>
    %dma_wait3A_1098 = arith.constant 384 : i32
    %dma_wait3A_1099 = tpu.memref_slice %arg5[%dma_wait3A_1092, %dma_wait3A_1098] : memref<3x512xi32, #tpu.memory_space<vmem>> -> memref<1x128xi32, #tpu.memory_space<vmem>>
    %dma_wait3A_1100 = tpu.memref_squeeze %dma_wait3A_1099 : memref<1x128xi32, #tpu.memory_space<vmem>> -> memref<128xi32, #tpu.memory_space<vmem>>
    %dma_wait3A_1101 = arith.constant 0 : i32
    %dma_wait3A_1102 = arith.constant 0 : i32
    %dma_wait3A_1103 = tpu.memref_slice %arg9[%dma_wait3A_1101, %dma_wait3A_1102] : memref<3072x64xf32, #tpu.memory_space<vmem_shared>> -> memref<3072x64xf32, #tpu.memory_space<vmem_shared>>
    tpu.wait_indirect_dma semaphore(%arg10 : memref<!tpu.dma_semaphore, #tpu.memory_space<semaphore_mem>>) src(%dma_wait3A_1103 : memref<3072x64xf32, #tpu.memory_space<vmem_shared>>) dst(%dma_wait3A_1097 : memref<128x64xf32, #tpu.memory_space<vmem>>)
    %dma_wait3A_1104 = arith.constant 1 : i32
    %dma_wait3A_1105 = arith.constant 3 : i32
    %dma_wait3A_1106 = arith.constant 0 : i32
    %dma_wait3A_1107 = arith.constant 0 : i32
    %dma_wait3A_1108 = tpu.memref_slice %arg7[%dma_wait3A_1105, %dma_wait3A_1106, %dma_wait3A_1107] : memref<4x128x64xf32, #tpu.memory_space<vmem>> -> memref<1x128x64xf32, #tpu.memory_space<vmem>>
    %dma_wait3A_1109 = tpu.memref_squeeze %dma_wait3A_1108 : memref<1x128x64xf32, #tpu.memory_space<vmem>> -> memref<128x64xf32, #tpu.memory_space<vmem>>
    %dma_wait3A_1110 = arith.constant 384 : i32
    %dma_wait3A_1111 = tpu.memref_slice %arg5[%dma_wait3A_1104, %dma_wait3A_1110] : memref<3x512xi32, #tpu.memory_space<vmem>> -> memref<1x128xi32, #tpu.memory_space<vmem>>
    %dma_wait3A_1112 = tpu.memref_squeeze %dma_wait3A_1111 : memref<1x128xi32, #tpu.memory_space<vmem>> -> memref<128xi32, #tpu.memory_space<vmem>>
    %dma_wait3A_1113 = arith.constant 0 : i32
    %dma_wait3A_1114 = arith.constant 0 : i32
    %dma_wait3A_1115 = tpu.memref_slice %arg9[%dma_wait3A_1113, %dma_wait3A_1114] : memref<3072x64xf32, #tpu.memory_space<vmem_shared>> -> memref<3072x64xf32, #tpu.memory_space<vmem_shared>>
    tpu.wait_indirect_dma semaphore(%arg10 : memref<!tpu.dma_semaphore, #tpu.memory_space<semaphore_mem>>) src(%dma_wait3A_1115 : memref<3072x64xf32, #tpu.memory_space<vmem_shared>>) dst(%dma_wait3A_1109 : memref<128x64xf32, #tpu.memory_space<vmem>>)
    %dma_wait3A_1116 = arith.constant 2 : i32
    %dma_wait3A_1117 = arith.constant 3 : i32
    %dma_wait3A_1118 = arith.constant 0 : i32
    %dma_wait3A_1119 = arith.constant 0 : i32
    %dma_wait3A_1120 = tpu.memref_slice %arg8[%dma_wait3A_1117, %dma_wait3A_1118, %dma_wait3A_1119] : memref<4x128x64xf32, #tpu.memory_space<vmem>> -> memref<1x128x64xf32, #tpu.memory_space<vmem>>
    %dma_wait3A_1121 = tpu.memref_squeeze %dma_wait3A_1120 : memref<1x128x64xf32, #tpu.memory_space<vmem>> -> memref<128x64xf32, #tpu.memory_space<vmem>>
    %dma_wait3A_1122 = arith.constant 384 : i32
    %dma_wait3A_1123 = tpu.memref_slice %arg5[%dma_wait3A_1116, %dma_wait3A_1122] : memref<3x512xi32, #tpu.memory_space<vmem>> -> memref<1x128xi32, #tpu.memory_space<vmem>>
    %dma_wait3A_1124 = tpu.memref_squeeze %dma_wait3A_1123 : memref<1x128xi32, #tpu.memory_space<vmem>> -> memref<128xi32, #tpu.memory_space<vmem>>
    %dma_wait3A_1125 = arith.constant 0 : i32
    %dma_wait3A_1126 = arith.constant 0 : i32
    %dma_wait3A_1127 = tpu.memref_slice %arg9[%dma_wait3A_1125, %dma_wait3A_1126] : memref<3072x64xf32, #tpu.memory_space<vmem_shared>> -> memref<3072x64xf32, #tpu.memory_space<vmem_shared>>
    tpu.wait_indirect_dma semaphore(%arg10 : memref<!tpu.dma_semaphore, #tpu.memory_space<semaphore_mem>>) src(%dma_wait3A_1127 : memref<3072x64xf32, #tpu.memory_space<vmem_shared>>) dst(%dma_wait3A_1121 : memref<128x64xf32, #tpu.memory_space<vmem>>)
    %scan3A_1128 = arith.constant 0 : i32
    %scan3A_1129 = arith.constant 0 : i32
    %scan3A_1130 = arith.constant 128 : i32
    %scan3A_1131 = arith.addi %scan3A_1129, %scan3A_1130 : i32
    %scan3A_1132 = arith.constant 1 : i32
    scf.for %scan3A_1191 = %scan3A_1129 to %scan3A_1131 step %scan3A_1132  : i32 {
      %get3A_1192 = arith.constant 3 : i32
      %get3A_1193 = arith.index_cast %get3A_1192 : i32 to index
      %get3A_1194 = arith.index_cast %scan3A_1191 : i32 to index
      %get3A_1195 = arith.constant 0 : index
      %get3A_1196 = tpu.vector_load %arg7[%get3A_1193, %get3A_1194, %get3A_1195] {strides = array<i32>} : memref<4x128x64xf32, #tpu.memory_space<vmem>>, vector<16xf32>,
      %get3A_1197 = arith.constant 3 : i32
      %get3A_1198 = arith.index_cast %get3A_1197 : i32 to index
      %get3A_1199 = arith.index_cast %scan3A_1191 : i32 to index
      %get3A_1200 = arith.constant 0 : index
      %get3A_1201 = tpu.vector_load %arg8[%get3A_1198, %get3A_1199, %get3A_1200] {strides = array<i32>} : memref<4x128x64xf32, #tpu.memory_space<vmem>>, vector<16xf32>,
      %add3A_1202 = arith.addf %get3A_1196, %get3A_1201 : vector<16xf32>
      %swap3A_1203 = arith.constant 3 : i32
      %swap3A_1204 = arith.index_cast %swap3A_1203 : i32 to index
      %swap3A_1205 = arith.index_cast %scan3A_1191 : i32 to index
      %swap3A_1206 = arith.constant 0 : index
      %swap3A_1207 = tpu.vector_load %arg6[%swap3A_1204, %swap3A_1205, %swap3A_1206] {strides = array<i32>} : memref<4x128x64xf32, #tpu.memory_space<vmem>>, vector<16xf32>,
      tpu.vector_store %arg6[%swap3A_1204, %swap3A_1205, %swap3A_1206], %add3A_1202 {add = true, strides = array<i32>} : memref<4x128x64xf32, #tpu.memory_space<vmem>>, vector<16xf32>,
      %get3A_1208 = arith.constant 3 : i32
      %get3A_1209 = arith.index_cast %get3A_1208 : i32 to index
      %get3A_1210 = arith.index_cast %scan3A_1191 : i32 to index
      %get3A_1211 = arith.constant 16 : index
      %get3A_1212 = tpu.vector_load %arg7[%get3A_1209, %get3A_1210, %get3A_1211] {strides = array<i32>} : memref<4x128x64xf32, #tpu.memory_space<vmem>>, vector<16xf32>,
      %get3A_1213 = arith.constant 3 : i32
      %get3A_1214 = arith.index_cast %get3A_1213 : i32 to index
      %get3A_1215 = arith.index_cast %scan3A_1191 : i32 to index
      %get3A_1216 = arith.constant 16 : index
      %get3A_1217 = tpu.vector_load %arg8[%get3A_1214, %get3A_1215, %get3A_1216] {strides = array<i32>} : memref<4x128x64xf32, #tpu.memory_space<vmem>>, vector<16xf32>,
      %add3A_1218 = arith.addf %get3A_1212, %get3A_1217 : vector<16xf32>
      %swap3A_1219 = arith.constant 3 : i32
      %swap3A_1220 = arith.index_cast %swap3A_1219 : i32 to index
      %swap3A_1221 = arith.index_cast %scan3A_1191 : i32 to index
      %swap3A_1222 = arith.constant 16 : index
      %swap3A_1223 = tpu.vector_load %arg6[%swap3A_1220, %swap3A_1221, %swap3A_1222] {strides = array<i32>} : memref<4x128x64xf32, #tpu.memory_space<vmem>>, vector<16xf32>,
      tpu.vector_store %arg6[%swap3A_1220, %swap3A_1221, %swap3A_1222], %add3A_1218 {add = true, strides = array<i32>} : memref<4x128x64xf32, #tpu.memory_space<vmem>>, vector<16xf32>,
      %get3A_1224 = arith.constant 3 : i32
      %get3A_1225 = arith.index_cast %get3A_1224 : i32 to index
      %get3A_1226 = arith.index_cast %scan3A_1191 : i32 to index
      %get3A_1227 = arith.constant 32 : index
      %get3A_1228 = tpu.vector_load %arg7[%get3A_1225, %get3A_1226, %get3A_1227] {strides = array<i32>} : memref<4x128x64xf32, #tpu.memory_space<vmem>>, vector<16xf32>,
      %get3A_1229 = arith.constant 3 : i32
      %get3A_1230 = arith.index_cast %get3A_1229 : i32 to index
      %get3A_1231 = arith.index_cast %scan3A_1191 : i32 to index
      %get3A_1232 = arith.constant 32 : index
      %get3A_1233 = tpu.vector_load %arg8[%get3A_1230, %get3A_1231, %get3A_1232] {strides = array<i32>} : memref<4x128x64xf32, #tpu.memory_space<vmem>>, vector<16xf32>,
      %add3A_1234 = arith.addf %get3A_1228, %get3A_1233 : vector<16xf32>
      %swap3A_1235 = arith.constant 3 : i32
      %swap3A_1236 = arith.index_cast %swap3A_1235 : i32 to index
      %swap3A_1237 = arith.index_cast %scan3A_1191 : i32 to index
      %swap3A_1238 = arith.constant 32 : index
      %swap3A_1239 = tpu.vector_load %arg6[%swap3A_1236, %swap3A_1237, %swap3A_1238] {strides = array<i32>} : memref<4x128x64xf32, #tpu.memory_space<vmem>>, vector<16xf32>,
      tpu.vector_store %arg6[%swap3A_1236, %swap3A_1237, %swap3A_1238], %add3A_1234 {add = true, strides = array<i32>} : memref<4x128x64xf32, #tpu.memory_space<vmem>>, vector<16xf32>,
      %get3A_1240 = arith.constant 3 : i32
      %get3A_1241 = arith.index_cast %get3A_1240 : i32 to index
      %get3A_1242 = arith.index_cast %scan3A_1191 : i32 to index
      %get3A_1243 = arith.constant 48 : index
      %get3A_1244 = tpu.vector_load %arg7[%get3A_1241, %get3A_1242, %get3A_1243] {strides = array<i32>} : memref<4x128x64xf32, #tpu.memory_space<vmem>>, vector<16xf32>,
      %get3A_1245 = arith.constant 3 : i32
      %get3A_1246 = arith.index_cast %get3A_1245 : i32 to index
      %get3A_1247 = arith.index_cast %scan3A_1191 : i32 to index
      %get3A_1248 = arith.constant 48 : index
      %get3A_1249 = tpu.vector_load %arg8[%get3A_1246, %get3A_1247, %get3A_1248] {strides = array<i32>} : memref<4x128x64xf32, #tpu.memory_space<vmem>>, vector<16xf32>,
      %add3A_1250 = arith.addf %get3A_1244, %get3A_1249 : vector<16xf32>
      %swap3A_1251 = arith.constant 3 : i32
      %swap3A_1252 = arith.index_cast %swap3A_1251 : i32 to index
      %swap3A_1253 = arith.index_cast %scan3A_1191 : i32 to index
      %swap3A_1254 = arith.constant 48 : index
      %swap3A_1255 = tpu.vector_load %arg6[%swap3A_1252, %swap3A_1253, %swap3A_1254] {strides = array<i32>} : memref<4x128x64xf32, #tpu.memory_space<vmem>>, vector<16xf32>,
      tpu.vector_store %arg6[%swap3A_1252, %swap3A_1253, %swap3A_1254], %add3A_1250 {add = true, strides = array<i32>} : memref<4x128x64xf32, #tpu.memory_space<vmem>>, vector<16xf32>,
    }
    %scan3A_1133 = arith.constant 128 : i32
    %add3A_1134 = arith.constant 384 : i32
    %add3A_1135 = arith.addi %multiple_of3A_41, %add3A_1134 : i32
    %dma_start3A_1136 = arith.constant 3 : i32
    %dma_start3A_1137 = arith.constant 0 : i32
    %dma_start3A_1138 = arith.constant 0 : i32
    %dma_start3A_1139 = tpu.memref_slice %arg6[%dma_start3A_1136, %dma_start3A_1137, %dma_start3A_1138] : memref<4x128x64xf32, #tpu.memory_space<vmem>> -> memref<1x128x64xf32, #tpu.memory_space<vmem>>
    %dma_start3A_1140 = tpu.memref_squeeze %dma_start3A_1139 : memref<1x128x64xf32, #tpu.memory_space<vmem>> -> memref<128x64xf32, #tpu.memory_space<vmem>>
    %dma_start3A_1141 = tpu.memref_slice %arg4[%add3A_1135, %mul3A_83] : memref<8192x128xf32, #tpu.memory_space<hbm>> -> memref<128x64xf32, #tpu.memory_space<hbm>>
    %dma_start3A_1142 = tpu.memref_slice %arg4[%add3A_1135, %mul3A_83] : memref<8192x128xf32, #tpu.memory_space<hbm>> -> memref<128x64xf32, #tpu.memory_space<hbm>>
    %dma_start3A_1143 = arith.constant 0 : i32
    %dma_start3A_1144 = arith.constant 0 : i32
    %dma_start3A_1145 = tpu.memref_slice %arg6[%dma_start3A_1136, %dma_start3A_1143, %dma_start3A_1144] : memref<4x128x64xf32, #tpu.memory_space<vmem>> -> memref<1x128x64xf32, #tpu.memory_space<vmem>>
    %dma_start3A_1146 = tpu.memref_squeeze %dma_start3A_1145 : memref<1x128x64xf32, #tpu.memory_space<vmem>> -> memref<128x64xf32, #tpu.memory_space<vmem>>
    tpu.enqueue_dma source(%dma_start3A_1146 : memref<128x64xf32, #tpu.memory_space<vmem>>) target(%dma_start3A_1142 : memref<128x64xf32, #tpu.memory_space<hbm>>) target_semaphore(%arg11 : memref<!tpu.dma_semaphore, #tpu.memory_space<semaphore_mem>>)
    %dma_wait3A_1147 = arith.constant 0 : i32
    %dma_wait3A_1148 = arith.constant 0 : i32
    %dma_wait3A_1149 = arith.constant 0 : i32
    %dma_wait3A_1150 = tpu.memref_slice %arg6[%dma_wait3A_1147, %dma_wait3A_1148, %dma_wait3A_1149] : memref<4x128x64xf32, #tpu.memory_space<vmem>> -> memref<1x128x64xf32, #tpu.memory_space<vmem>>
    %dma_wait3A_1151 = tpu.memref_squeeze %dma_wait3A_1150 : memref<1x128x64xf32, #tpu.memory_space<vmem>> -> memref<128x64xf32, #tpu.memory_space<vmem>>
    %dma_wait3A_1152 = tpu.memref_slice %arg4[%add3A_970, %mul3A_83] : memref<8192x128xf32, #tpu.memory_space<hbm>> -> memref<128x64xf32, #tpu.memory_space<hbm>>
    %dma_wait3A_1153 = tpu.memref_slice %arg4[%add3A_970, %mul3A_83] : memref<8192x128xf32, #tpu.memory_space<hbm>> -> memref<128x64xf32, #tpu.memory_space<hbm>>
    %dma_wait3A_1154 = arith.constant 0 : i32
    %dma_wait3A_1155 = arith.constant 0 : i32
    %dma_wait3A_1156 = tpu.memref_slice %arg6[%dma_wait3A_1147, %dma_wait3A_1154, %dma_wait3A_1155] : memref<4x128x64xf32, #tpu.memory_space<vmem>> -> memref<1x128x64xf32, #tpu.memory_space<vmem>>
    %dma_wait3A_1157 = tpu.memref_squeeze %dma_wait3A_1156 : memref<1x128x64xf32, #tpu.memory_space<vmem>> -> memref<128x64xf32, #tpu.memory_space<vmem>>
    tpu.wait_dma2 semaphore(%arg11 : memref<!tpu.dma_semaphore, #tpu.memory_space<semaphore_mem>>) src(%dma_wait3A_1157 : memref<128x64xf32, #tpu.memory_space<vmem>>) dst(%dma_wait3A_1153 : memref<128x64xf32, #tpu.memory_space<hbm>>)
    %dma_wait3A_1158 = arith.constant 1 : i32
    %dma_wait3A_1159 = arith.constant 0 : i32
    %dma_wait3A_1160 = arith.constant 0 : i32
    %dma_wait3A_1161 = tpu.memref_slice %arg6[%dma_wait3A_1158, %dma_wait3A_1159, %dma_wait3A_1160] : memref<4x128x64xf32, #tpu.memory_space<vmem>> -> memref<1x128x64xf32, #tpu.memory_space<vmem>>
    %dma_wait3A_1162 = tpu.memref_squeeze %dma_wait3A_1161 : memref<1x128x64xf32, #tpu.memory_space<vmem>> -> memref<128x64xf32, #tpu.memory_space<vmem>>
    %dma_wait3A_1163 = tpu.memref_slice %arg4[%add3A_1025, %mul3A_83] : memref<8192x128xf32, #tpu.memory_space<hbm>> -> memref<128x64xf32, #tpu.memory_space<hbm>>
    %dma_wait3A_1164 = tpu.memref_slice %arg4[%add3A_1025, %mul3A_83] : memref<8192x128xf32, #tpu.memory_space<hbm>> -> memref<128x64xf32, #tpu.memory_space<hbm>>
    %dma_wait3A_1165 = arith.constant 0 : i32
    %dma_wait3A_1166 = arith.constant 0 : i32
    %dma_wait3A_1167 = tpu.memref_slice %arg6[%dma_wait3A_1158, %dma_wait3A_1165, %dma_wait3A_1166] : memref<4x128x64xf32, #tpu.memory_space<vmem>> -> memref<1x128x64xf32, #tpu.memory_space<vmem>>
    %dma_wait3A_1168 = tpu.memref_squeeze %dma_wait3A_1167 : memref<1x128x64xf32, #tpu.memory_space<vmem>> -> memref<128x64xf32, #tpu.memory_space<vmem>>
    tpu.wait_dma2 semaphore(%arg11 : memref<!tpu.dma_semaphore, #tpu.memory_space<semaphore_mem>>) src(%dma_wait3A_1168 : memref<128x64xf32, #tpu.memory_space<vmem>>) dst(%dma_wait3A_1164 : memref<128x64xf32, #tpu.memory_space<hbm>>)
    %dma_wait3A_1169 = arith.constant 2 : i32
    %dma_wait3A_1170 = arith.constant 0 : i32
    %dma_wait3A_1171 = arith.constant 0 : i32
    %dma_wait3A_1172 = tpu.memref_slice %arg6[%dma_wait3A_1169, %dma_wait3A_1170, %dma_wait3A_1171] : memref<4x128x64xf32, #tpu.memory_space<vmem>> -> memref<1x128x64xf32, #tpu.memory_space<vmem>>
    %dma_wait3A_1173 = tpu.memref_squeeze %dma_wait3A_1172 : memref<1x128x64xf32, #tpu.memory_space<vmem>> -> memref<128x64xf32, #tpu.memory_space<vmem>>
    %dma_wait3A_1174 = tpu.memref_slice %arg4[%add3A_1080, %mul3A_83] : memref<8192x128xf32, #tpu.memory_space<hbm>> -> memref<128x64xf32, #tpu.memory_space<hbm>>
    %dma_wait3A_1175 = tpu.memref_slice %arg4[%add3A_1080, %mul3A_83] : memref<8192x128xf32, #tpu.memory_space<hbm>> -> memref<128x64xf32, #tpu.memory_space<hbm>>
    %dma_wait3A_1176 = arith.constant 0 : i32
    %dma_wait3A_1177 = arith.constant 0 : i32
    %dma_wait3A_1178 = tpu.memref_slice %arg6[%dma_wait3A_1169, %dma_wait3A_1176, %dma_wait3A_1177] : memref<4x128x64xf32, #tpu.memory_space<vmem>> -> memref<1x128x64xf32, #tpu.memory_space<vmem>>
    %dma_wait3A_1179 = tpu.memref_squeeze %dma_wait3A_1178 : memref<1x128x64xf32, #tpu.memory_space<vmem>> -> memref<128x64xf32, #tpu.memory_space<vmem>>
    tpu.wait_dma2 semaphore(%arg11 : memref<!tpu.dma_semaphore, #tpu.memory_space<semaphore_mem>>) src(%dma_wait3A_1179 : memref<128x64xf32, #tpu.memory_space<vmem>>) dst(%dma_wait3A_1175 : memref<128x64xf32, #tpu.memory_space<hbm>>)
    %dma_wait3A_1180 = arith.constant 3 : i32
    %dma_wait3A_1181 = arith.constant 0 : i32
    %dma_wait3A_1182 = arith.constant 0 : i32
    %dma_wait3A_1183 = tpu.memref_slice %arg6[%dma_wait3A_1180, %dma_wait3A_1181, %dma_wait3A_1182] : memref<4x128x64xf32, #tpu.memory_space<vmem>> -> memref<1x128x64xf32, #tpu.memory_space<vmem>>
    %dma_wait3A_1184 = tpu.memref_squeeze %dma_wait3A_1183 : memref<1x128x64xf32, #tpu.memory_space<vmem>> -> memref<128x64xf32, #tpu.memory_space<vmem>>
    %dma_wait3A_1185 = tpu.memref_slice %arg4[%add3A_1135, %mul3A_83] : memref<8192x128xf32, #tpu.memory_space<hbm>> -> memref<128x64xf32, #tpu.memory_space<hbm>>
    %dma_wait3A_1186 = tpu.memref_slice %arg4[%add3A_1135, %mul3A_83] : memref<8192x128xf32, #tpu.memory_space<hbm>> -> memref<128x64xf32, #tpu.memory_space<hbm>>
    %dma_wait3A_1187 = arith.constant 0 : i32
    %dma_wait3A_1188 = arith.constant 0 : i32
    %dma_wait3A_1189 = tpu.memref_slice %arg6[%dma_wait3A_1180, %dma_wait3A_1187, %dma_wait3A_1188] : memref<4x128x64xf32, #tpu.memory_space<vmem>> -> memref<1x128x64xf32, #tpu.memory_space<vmem>>
    %dma_wait3A_1190 = tpu.memref_squeeze %dma_wait3A_1189 : memref<1x128x64xf32, #tpu.memory_space<vmem>> -> memref<128x64xf32, #tpu.memory_space<vmem>>
    tpu.wait_dma2 semaphore(%arg11 : memref<!tpu.dma_semaphore, #tpu.memory_space<semaphore_mem>>) src(%dma_wait3A_1190 : memref<128x64xf32, #tpu.memory_space<vmem>>) dst(%dma_wait3A_1186 : memref<128x64xf32, #tpu.memory_space<hbm>>)
    return
  }
}

module attributes {stable_mosaic.version = 14 : i64} {
  func.func @_finish_body(%arg0: i32, %arg1: memref<2048x128xf32, #tpu.memory_space<vmem>>, %arg2: memref<64x4096xf32, #tpu.memory_space<vmem>>) attributes {dimension_semantics = [#tpu.dimension_semantics<arbitrary>], iteration_bounds = array<i64: 4>, scalar_prefetch = 0 : i64, scratch_operands = 0 : i64, tpu.core_type = #tpu.core_type<tc>, window_params = [{transform_indices = @transform_0, window_bounds = array<i64: 2048, 128>}, {transform_indices = @transform_1, window_bounds = array<i64: 64, 4096>}]} {
    %get3A = arith.constant 0 : index
    %get3A_0 = arith.constant 0 : index
    %get3A_1 = vector.load %arg1[%get3A, %get3A_0] : memref<2048x128xf32, #tpu.memory_space<vmem>>, vector<2048x128xf32>
    %transpose3A = tpu.transpose %get3A_1, [1, 0] : vector<2048x128xf32> -> vector<128x2048xf32>
    %slice3A = vector.extract_strided_slice %transpose3A {offsets = [0, 0], sizes = [64, 2048], strides = [1, 1]} : vector<128x2048xf32> to vector<64x2048xf32>
    %swap3A = arith.constant 0 : index
    %swap3A_2 = arith.constant 0 : index
    %swap3A_3 = vector.load %arg2[%swap3A, %swap3A_2] : memref<64x4096xf32, #tpu.memory_space<vmem>>, vector<64x2048xf32>
    tpu.vector_store %arg2[%swap3A, %swap3A_2], %slice3A {strides = array<i32>} : memref<64x4096xf32, #tpu.memory_space<vmem>>, vector<64x2048xf32>,
    %slice3A_4 = vector.extract_strided_slice %transpose3A {offsets = [64, 0], sizes = [64, 2048], strides = [1, 1]} : vector<128x2048xf32> to vector<64x2048xf32>
    %swap3A_5 = arith.constant 0 : index
    %swap3A_6 = arith.constant 2048 : index
    %swap3A_7 = vector.load %arg2[%swap3A_5, %swap3A_6] : memref<64x4096xf32, #tpu.memory_space<vmem>>, vector<64x2048xf32>
    tpu.vector_store %arg2[%swap3A_5, %swap3A_6], %slice3A_4 {strides = array<i32>} : memref<64x4096xf32, #tpu.memory_space<vmem>>, vector<64x2048xf32>,
    return
  }
  func.func @transform_0(%arg0: i32) -> (i32, i32) {
    %c0_i32 = arith.constant 0 : i32
    %c0_i32_0 = arith.constant 0 : i32
    return %arg0, %c0_i32 : i32, i32
  }
  func.func @transform_1(%arg0: i32) -> (i32, i32) {
    %c0_i32 = arith.constant 0 : i32
    %c0_i32_0 = arith.constant 0 : i32
    return %c0_i32, %arg0 : i32, i32
  }
}

module attributes {stable_mosaic.version = 14 : i64} {
  func.func @_project_body(%arg0: memref<64x1000xf32, #tpu.memory_space<vmem>>, %arg1: memref<64x1000xf32, #tpu.memory_space<vmem>>, %arg2: memref<64x192xf32, #tpu.memory_space<vmem>>, %arg3: memref<1x64xf32, #tpu.memory_space<vmem>>, %arg4: memref<3072x64xf32, #tpu.memory_space<vmem>>) attributes {dimension_semantics = [], scalar_prefetch = 0 : i64, scratch_operands = 0 : i64, tpu.core_type = #tpu.core_type<tc>} {
    %get3A = arith.constant 0 : index
    %get3A_0 = arith.constant 0 : index
    %get3A_1 = vector.load %arg0[%get3A, %get3A_0] : memref<64x1000xf32, #tpu.memory_space<vmem>>, vector<64x1000xf32>
    %get3A_2 = arith.constant 0 : index
    %get3A_3 = arith.constant 0 : index
    %get3A_4 = vector.load %arg1[%get3A_2, %get3A_3] : memref<64x1000xf32, #tpu.memory_space<vmem>>, vector<64x1000xf32>
    %get3A_5 = arith.constant 0 : index
    %get3A_6 = arith.constant 0 : index
    %get3A_7 = vector.load %arg2[%get3A_5, %get3A_6] : memref<64x192xf32, #tpu.memory_space<vmem>>, vector<64x192xf32>
    %slice3A = vector.extract_strided_slice %get3A_7 {offsets = [0, 0], sizes = [64, 64], strides = [1, 1]} : vector<64x192xf32> to vector<64x64xf32>
    %dot_general3A = arith.constant dense<0.000000e+00> : vector<1000x64xf32>
    %dot_general3A_8 = tpu.matmul %get3A_1, %slice3A, %dot_general3A {dimension_numbers = #tpu.dot_dimension_numbers<[0], [1], [1], [0], [0, 1, 1, 0], [], []>, transpose_lhs_hint = false} : vector<64x1000xf32>, vector<64x64xf32>, vector<1000x64xf32> -> vector<1000x64xf32>
    %swap3A = arith.constant 0 : index
    %swap3A_9 = arith.constant 0 : index
    %swap3A_10 = vector.load %arg4[%swap3A, %swap3A_9] : memref<3072x64xf32, #tpu.memory_space<vmem>>, vector<1000x64xf32>
    tpu.vector_store %arg4[%swap3A, %swap3A_9], %dot_general3A_8 {strides = array<i32>} : memref<3072x64xf32, #tpu.memory_space<vmem>>, vector<1000x64xf32>,
    %slice3A_11 = vector.extract_strided_slice %get3A_7 {offsets = [0, 64], sizes = [64, 64], strides = [1, 1]} : vector<64x192xf32> to vector<64x64xf32>
    %dot_general3A_12 = arith.constant dense<0.000000e+00> : vector<1000x64xf32>
    %dot_general3A_13 = tpu.matmul %get3A_4, %slice3A_11, %dot_general3A_12 {dimension_numbers = #tpu.dot_dimension_numbers<[0], [1], [1], [0], [0, 1, 1, 0], [], []>, transpose_lhs_hint = false} : vector<64x1000xf32>, vector<64x64xf32>, vector<1000x64xf32> -> vector<1000x64xf32>
    %get3A_14 = arith.constant 0 : index
    %get3A_15 = arith.constant 0 : index
    %get3A_16 = vector.load %arg3[%get3A_14, %get3A_15] : memref<1x64xf32, #tpu.memory_space<vmem>>, vector<1x64xf32>
    %add3A = vector.broadcast %get3A_16 : vector<1x64xf32> to vector<1000x64xf32>
    %add3A_17 = arith.addf %dot_general3A_13, %add3A : vector<1000x64xf32>
    %swap3A_18 = arith.constant 1000 : index
    %swap3A_19 = arith.constant 0 : index
    %swap3A_20 = vector.load %arg4[%swap3A_18, %swap3A_19] : memref<3072x64xf32, #tpu.memory_space<vmem>>, vector<1000x64xf32>
    tpu.vector_store %arg4[%swap3A_18, %swap3A_19], %add3A_17 {strides = array<i32>} : memref<3072x64xf32, #tpu.memory_space<vmem>>, vector<1000x64xf32>,
    %slice3A_21 = vector.extract_strided_slice %get3A_7 {offsets = [0, 128], sizes = [64, 64], strides = [1, 1]} : vector<64x192xf32> to vector<64x64xf32>
    %dot_general3A_22 = arith.constant dense<0.000000e+00> : vector<1000x64xf32>
    %dot_general3A_23 = tpu.matmul %get3A_1, %slice3A_21, %dot_general3A_22 {dimension_numbers = #tpu.dot_dimension_numbers<[0], [1], [1], [0], [0, 1, 1, 0], [], []>, transpose_lhs_hint = false} : vector<64x1000xf32>, vector<64x64xf32>, vector<1000x64xf32> -> vector<1000x64xf32>
    %swap3A_24 = arith.constant 2000 : index
    %swap3A_25 = arith.constant 0 : index
    %swap3A_26 = vector.load %arg4[%swap3A_24, %swap3A_25] : memref<3072x64xf32, #tpu.memory_space<vmem>>, vector<1000x64xf32>
    tpu.vector_store %arg4[%swap3A_24, %swap3A_25], %dot_general3A_23 {strides = array<i32>} : memref<3072x64xf32, #tpu.memory_space<vmem>>, vector<1000x64xf32>,
    %broadcast_in_dim3A = arith.constant 0.000000e+00 : f32
    %broadcast_in_dim3A_27 = vector.broadcast %broadcast_in_dim3A : f32 to vector<72x64xf32>
    %swap3A_28 = arith.constant 3000 : index
    %swap3A_29 = arith.constant 0 : index
    %swap3A_30 = vector.load %arg4[%swap3A_28, %swap3A_29] : memref<3072x64xf32, #tpu.memory_space<vmem>>, vector<72x64xf32>
    tpu.vector_store %arg4[%swap3A_28, %swap3A_29], %broadcast_in_dim3A_27 {strides = array<i32>} : memref<3072x64xf32, #tpu.memory_space<vmem>>, vector<72x64xf32>,
    return
  }
}

</mosaic_0001>

<sc_bundles>
// kernel: kernel.5.cloned.1.call-start
scs
__scs_entry_jumppad:
0x0: {  	(pc) =	sbr.rel $0x88, $3  }
0x1: {  	(tag) =	ssettag $0x0;
	lr =	simm.s32 $0x1  }
0x2: {  	[smem:$0x3F9C] =	sst lr;
	_ =	strace $0xD0000000  }
0x3: {  	_ = 	snop  }
0x4: {  	_ = 	snop  }
0x5: {  	_ = 	snop  }
0x6: {  	_ = 	snop  }
0x7: {  	_ = 	snop  }
__scs_overlays_trampoline_lowered:
0x8: {  	[smem:$0x3FAB] =	sst s0  }
0x9: {  	[smem:$0x3FAC] =	sst s1  }
0xa: {  	[smem:$0x3FAD] =	sst s2  }
0xb: {  	[smem:$0x3FAE] =	sst s3  }
0xc: {  	[smem:$0x3FAF] =	sst s4  }
0xd: {  	[smem:$0x3FB0] =	sst s5  }
0xe: {  	[smem:$0x3FB1] =	sst s6  }
0xf: {  	[smem:$0x3FB2] =	sst s7  }
0x10: {  	[smem:$0x3FB3] =	sst s8  }
0x11: {  	[smem:$0x3FB4] =	sst s9;
	s0 =	simm.s32 @!p0 $0x0  }
0x12: {  	s1 =	sld [smem:$0x3F9A];
	s0 =	simm.s32 @p0 $0x1  }
0x13: {  	[smem:$0x3FB5] =	sst s0;
	s0 =	simm.s32 @!p1 $0x0  }
0x14: {  	s2 =	sld [smem:$0x3F99];
	s0 =	simm.s32 @p1 $0x1  }
0x15: {  	[smem:$0x3FB6] =	sst s0;
	s0 =	simm.s32 @!p2 $0x0  }
0x16: {  	s3 =	sld [smem:$0x3FDB];
	s0 =	simm.s32 @p2 $0x1  }
0x17: {  	s4 =	simm.s32 $0x1BF5;
	[smem:$0x3FB8] =	sst s0  }
0x18: {  	s0 =	sld [smem:$0x3F9B];
	_ =	swait.ge [sflag:s4], $0x0  }
0x19: {  	s7 =	sld [smem:$0x3F9C]  }
0x1a: {  	s8 =	sadd.s32 $0xFFFFE003, lr  }
0x1b: {  	s9 =	sadd.s32 $0xFFFFFEF7, lr;
	s5 =	simm.s32 $0xFFFFFFFF;
	p2 =	slt.u32 s8, $0xFFFFF086  }
0x1c: {  	p1 =	slt.u32 s9, $0xF7A;
	s5 =	simm.s32 @!p2 $0x0  }
0x1d: {  	s5 =	simm.s32 @p1 $0x1;
	p0 =	seq.s32 s7, s2  }
0x1e: {  	s7 =	smul.u32 @!p0 $0xF7A, s2;
	p2 =	seq.s32 @!p0 s5, $0x0  }
0x1f: {  	s9 =	smul.u32 $0xF7A, s1;
	s8 =	simm.s32 @!p0 $0x1BF5;
	p2 =	por !p2, p0  }
0x20: {  	[sflag:s8] =	ssyncset.s32 @!p0 $0xFFFFF086;
	s6 =	sadd.s32 @!p0 s3, s7;
	s7 =	simm.s32 @!p0 $0x108  }
0x21: {  	s3 =	sadd.s32 s3, s9;
	s6 =	sadd.s32 @!p0 $0x88, s6;
	s7 =	simm.s32 @p2 $0x1082  }
0x22: {  	[simem:s7], [sflag:s8] =	dma.local @!p0 [hbm:s6], $0xF7A  }
0x23: {  	s9 =	sor.u32 $0xD0000000, s2;
	s6 =	simm.s32 $0x108;
	_ =	swait.ge @!p0 [sflag:s8], $0x0  }
0x24: {  	s3 =	sadd.s32 $0x88, s3;
	s6 =	simm.s32 @!p1 $0x1082;
	[sflag:s4] =	ssyncset.s32 $0xFFFFF086  }
0x25: {  	[simem:s6], [sflag:s4] =	dma.local [hbm:s3], $0xF7A  }
0x26: {  	[smem:$0x3F9C] =	sst s1;
	(tag) =	ssettag s2;
	_ =	strace s9  }
0x27: {  	s1 =	sld [smem:$0x3FAC]  }
0x28: {  	s2 =	sld [smem:$0x3FAD]  }
0x29: {  	s4 =	sld [smem:$0x3FAF]  }
0x2a: {  	p0 =	seq.s32 s5, $0x0;
	s5 =	sld [smem:$0x3FB0]  }
0x2b: {  	s6 =	sld [smem:$0x3FB1]  }
0x2c: {  	s7 =	sld [smem:$0x3FB2]  }
0x2d: {  	s3 =	simm.s32 $0x108;
	s8 =	sld [smem:$0x3FB3]  }
0x2e: {  	s3 =	simm.s32 @!p0 $0x1082;
	s9 =	sld [smem:$0x3FB4]  }
0x2f: {  	lr =	sadd.s32 s0, s3;
	s0 =	sld [smem:$0x3FAB]  }
0x30: {  	s3 =	sld [smem:$0x3FAE]  }
0x31: {  	[smem:$0x3FB7] =	sst s10  }
0x32: {  	s10 =	sld [smem:$0x3FB5];
	_ =	sdelay $0x3  }
0x33: {  	p0 =	seq.s32 s10, $0x1;
	s10 =	sld [smem:$0x3FB7];
	_ =	sdelay $0x3  }
0x34: {  	[smem:$0x3FB7] =	sst s10  }
0x35: {  	s10 =	sld [smem:$0x3FB6];
	_ =	sdelay $0x3  }
0x36: {  	p1 =	seq.s32 s10, $0x1;
	s10 =	sld [smem:$0x3FB7];
	_ =	sdelay $0x3  }
0x37: {  	[smem:$0x3FB7] =	sst s10  }
0x38: {  	s10 =	sld [smem:$0x3FB8]  }
0x39: {  	_ = 	snop;
	(pc) =	sbr.ind lr, $3  }
0x3a: {  	_ = 	snop  }
0x3b: {  	_ = 	snop  }
0x3c: {  	p2 =	seq.s32 s10, $0x1;
	s10 =	sld [smem:$0x3FB7]  }
0x3d: {  	_ =	shalt  }
0x3e: {  	_ =	shalt  }
0x3f: {  	_ =	shalt  }
0x40: {  	_ =	shalt  }
0x41: {  	_ =	shalt  }
0x42: {  	_ =	shalt  }
0x43: {  	_ =	shalt  }
0x44: {  	_ =	shalt  }
0x45: {  	_ =	shalt  }
0x46: {  	_ =	shalt  }
0x47: {  	_ =	shalt  }
0x48: {  	_ =	shalt  }
0x49: {  	_ =	shalt  }
0x4a: {  	_ =	shalt  }
0x4b: {  	_ =	shalt  }
0x4c: {  	_ =	shalt  }
0x4d: {  	_ =	shalt  }
0x4e: {  	_ =	shalt  }
0x4f: {  	_ =	shalt  }
0x50: {  	_ =	shalt  }
0x51: {  	_ =	shalt  }
0x52: {  	_ =	shalt  }
0x53: {  	_ =	shalt  }
0x54: {  	_ =	shalt  }
0x55: {  	_ =	shalt  }
0x56: {  	_ =	shalt  }
0x57: {  	_ =	shalt  }
0x58: {  	_ =	shalt  }
0x59: {  	_ =	shalt  }
0x5a: {  	_ =	shalt  }
0x5b: {  	_ =	shalt  }
0x5c: {  	_ =	shalt  }
0x5d: {  	_ =	shalt  }
0x5e: {  	_ =	shalt  }
0x5f: {  	_ =	shalt  }
0x60: {  	_ =	shalt  }
0x61: {  	_ =	shalt  }
0x62: {  	_ =	shalt  }
0x63: {  	_ =	shalt  }
0x64: {  	_ =	shalt  }
0x65: {  	_ =	shalt  }
0x66: {  	_ =	shalt  }
0x67: {  	_ =	shalt  }
0x68: {  	_ =	shalt  }
0x69: {  	_ =	shalt  }
0x6a: {  	_ =	shalt  }
0x6b: {  	_ =	shalt  }
0x6c: {  	_ =	shalt  }
0x6d: {  	_ =	shalt  }
0x6e: {  	_ =	shalt  }
0x6f: {  	_ =	shalt  }
0x70: {  	_ =	shalt  }
0x71: {  	_ =	shalt  }
0x72: {  	_ =	shalt  }
0x73: {  	_ =	shalt  }
0x74: {  	_ =	shalt  }
0x75: {  	_ =	shalt  }
0x76: {  	_ =	shalt  }
0x77: {  	_ =	shalt  }
0x78: {  	_ =	shalt  }
0x79: {  	_ =	shalt  }
0x7a: {  	_ =	shalt  }
0x7b: {  	_ =	shalt  }
0x7c: {  	_ =	shalt  }
0x7d: {  	_ =	shalt  }
0x7e: {  	_ =	shalt  }
0x7f: {  	_ =	shalt  }
0x80: {  	_ =	shalt  }
0x81: {  	_ =	shalt  }
0x82: {  	_ =	shalt  }
0x83: {  	_ =	shalt  }
0x84: {  	_ =	shalt  }
0x85: {  	_ =	shalt  }
0x86: {  	_ =	shalt  }
0x87: {  	_ =	shalt  }
.Lfunc_end0:
.L_simem_size_0:
called_computation_lowered:
.L_overlay_start_0:
0x88: {  	s2 =	sld [smem:$0x3FD9]  }
0x89: {  	s3 =	sld [smem:$0x3FFE];
	_ =	sdelay $0x1  }
0x8a: {  	s1 =	srdreg.scid  }
0x8b: {  	s0 =	sand.u32 $0x1, s1  }
0x8c: {  	s17 =	sshll.u32 s0, $0xA;
	s2 =	sadd.s32 s3, s2  }
0x8d: {  	s2 =	sadd.s32 s2, s17  }
0x8e: {  	[smem:$0x3FC3] =	sst s2  }
0x8f: {  	_ = 	snop  }
0x90: {  	s2 =	sld [smem:$0x3FD0];
	(tm) =	ssettm $0x1  }
0x91: {  	s18 =	sld [smem:$0x3FFB];
	_ =	sdelay $0x3  }
0x92: {  	_ =	strace s18  }
0x93: {  	s3 =	sld [smem:$0x3FFC];
	_ =	sdelay $0x3  }
0x94: {  	_ =	strace s3  }
0x95: {  	s3 =	sld [smem:$0x3FFD];
	_ =	sdelay $0x3  }
0x96: {  	_ =	strace s3  }
0x97: {  	_ =	strace $0x8FFFFFFF  }
0x98: {  	s19 =	sld [smem:$0x3FDB];
	_ =	sdelay $0x1  }
0x99: {  	s4 =	simm.s32 $_scs_section_size  }
0x9a: {  	s5 =	simm.s32 $_size__tile_overlayer_lowered;
	s6 =	simm.s32 $_tile_overlayer_lowered  }
0x9b: {  	s22 =	simm.s32 $0x1BFF;
	s21 =	sshll.u32 s6, $0x1;
	s3 =	sadd.s32 s4, s19  }
0x9c: {  	s7 =	simm.s32 $0x0;
	s20 =	sshll.u32 s5, $0x1;
	s5 =	sadd.s32 s21, s3  }
0x9d: {  	[timem:s7], [sflag:s22] =	dma.local [hbm:s5], s20  }
0x9e: {  	_ =	swait.ge [sflag:s22], s20  }
0x9f: {  	s4 =	ssub.s32 $0x0, s20;
	[sflag:s22] =	ssyncset.done $0x0  }
0xa0: {  	[sflag:s22] =	ssyncadd.s32 s4;
	_ =	sdelay $0x1  }
0xa1: {  	s23 =	simm.s32 $0x1B8B  }
0xa2: {  	_ =	swait.ge [sflag:s23], $0x1  }
0xa3: {  	[sflag:s23] =	ssyncset.done $0x0  }
0xa4: {  	s25 =	simm.s32 $0x1B8E;
	s24 =	sld [smem:$0x3FFE];
	[sflag:s23] =	ssyncadd.s32 $0xFFFFFFFF  }
0xa5: {  	s26 =	simm.s32 $execute0_lowered;
	[smem:$0x3FD2] =	sst s25  }
0xa6: {  	s5 =	sshll.u32 s26, $0x1;
	_ =	strace $0x80000046;
	[dreg:$0x1] =	wrdreg $0xFFFFFFFF  }
0xa7: {  	s28 =	simm.s32 $_size_execute0_lowered;
	s3 =	sadd.s32 s3, s5;
	[dreg:$0x0] =	wrdreg $0x0  }
0xa8: {  	s5 =	sshll.u32 s28, $0x1;
	[dreg:$0x2] =	wrdreg s3  }
0xa9: {  	[dreg:$0x3] =	wrdreg s5  }
0xaa: {  	[dreg:$0x4] =	wrdreg $0xC0  }
0xab: {  	_ =	task [dreg:s7], $0x5FFFF  }
0xac: {  	[dreg:$0x1] =	wrdreg $0xFFFFFFFF  }
0xad: {  	[dreg:$0x0] =	wrdreg $0x60  }
0xae: {  	[dreg:$0x2] =	wrdreg s24  }
0xaf: {  	[dreg:$0x3] =	wrdreg s2  }
0xb0: {  	[dreg:$0x4] =	wrdreg $0x186000  }
0xb1: {  	[dreg:$0x5] =	wrdreg $0x9  }
0xb2: {  	_ =	task.clear_ibuf [dreg:s7], $0x6FFFF;
	_ =	strace $0x90000046  }
0xb3: {  	s29 =	simm.s32 $0x9;
	_ =	strace $0x80000048  }
0xb4: {  	_ =	swait.ge [sflag:s29], $0x1  }
0xb5: {  	[sflag:s29] =	ssyncadd.s32 $0xFFFFFFFF  }
0xb6: {  	_ =	strace $0x90000048  }
0xb7: {  	_ =	sfence  }
0xb8: {  	s30 =	sld [smem:$0x0];
	_ =	sdelay $0x2  }
0xb9: {  	s31 =	sshll.u32 s1, $0xD;
	s1 =	sshrl.u32 s1, $0x2  }
0xba: {  	s3 =	sand.u32 $0x4000, s31;
	s1 =	sadd.s32 s1, s30  }
0xbb: {  	s0 =	sor.u32 s3, s0;
	s1 =	sshll.u32 s1, $0x11  }
0xbc: {  	s0 =	sor.u32 s1, s0  }
0xbd: {  	s0 =	sadd.s32 $0x8F2B, s0  }
0xbe: {  	[sflag:s0] =	ssyncadd.remote.s32 $0x1  }
0xbf: {  	_ =	sfence.sel $0xFFFF  }
0xc0: {  	[dreg:$0x0] =	wrdreg $0xFFFFFFFF;
	(pc) =	sbr.abs _section_cstart, $3  }
0xc1: {  	[dreg:$0x1] =	wrdreg $0xFFFFFFFF  }
0xc2: {  	_ =	task.clear_ibuf [dreg:s7], $0x2FFFF;
	_ =	strace $0x9FFFFFFF  }
0xc3: {  	(tm) =	ssettm $0x7FFFFFFF  }
tec
execute0_lowered:
.L_overlay_start_1:
0x0: {  	(tag) =	ssettag $0x1  }
0x1: {  	s0 =	rddreg [dreg:$0x0]  }
0x2: {  	s1 =	rddreg [dreg:$0x1]  }
0x3: {  	s2 =	rddreg [dreg:$0x2]  }
0x4: {  	s3 =	srdreg.scid;
	s10 =	stileid.u32;
	s13 =	simm.s32 $0x3  }
0x5: {  	s14 =	simm.s32 $0x200;
	s16 =	simm.s32 $0x80;
	s17 =	simm.s32 $0x600  }
0x6: {  	s21 =	simm.s32 $0x2600;
	s28 =	simm.s32 $0x4600;
	s15 =	simm.s32 $0x6600  }
0x7: {  	s18 =	simm.s32 $0x380;
	s19 =	simm.s32 $0xE600;
	s20 =	simm.s32 $0x580  }
0x8: {  	s22 =	simm.s32 $0x16600;
	s23 =	simm.s32 $0x1;
	s24 =	simm.s32 $0x40  }
0x9: {  	s25 =	simm.s32 $0x2;
	s26 =	simm.s32 $0x0;
	s4 =	sand.u32 $0x1, s3  }
0xa: {  	s5 =	sshll.u32 s10, $0x1;
	s3 =	simm.s32 $0x0;
	s6 =	smul.u32 $0x3000, s10  }
0xb: {  	s29 =	sshll.u32 s10, $0xD;
	s9 =	sshll.u32 s10, $0x2;
	s31 =	sshll.u32 s10, $0x6  }
0xc: {  	s5 =	sor.u32 s4, s5;
	[smem:$0x7FF] =	sst s3;
	s4 =	ssub.s32 $0x2, s4  }
0xd: {  	s7 =	sshll.u32 s5, $0x6;
	_ =	strace $0x80000047;
	s8 =	sshrl.u32 s6, $0x3  }
0xe: {  	s5 =	sshll.u32 s5, $0xD;
	s30 =	sshrl.u32 s4, $0x1;
	s12 =	sadd.s32 s6, s2  }
0xf: {  	s6 =	sor.u32 $0x1C03, s31;
	s7 =	sadd.s32 s7, s0;
	s0 =	sadd.s32 s8, s0  }
0x10: {  	s8 =	sor.u32 s29, s9;
	s5 =	sand.u32 $0x6000, s5;
	s11 =	ssub.s32 s4, s30  }
0x11: {  	s12 =	sshrl.u32 s12, $0x3;
	s8 =	sand.u32 $0x18008, s8;
	s4 =	sadd.s32 $0x2600, s0  }
0x12: {  	s7 =	sadd.s32 $0xE00, s7;
	s11 =	smax.u32 s11, $0x1;
	s5 =	sor.u32 s5, s8  }
0x13: {  	s0 =	simm.s32 $0x14600;
	s5 =	sadd.s32 s1, s5;
	s1 =	simm.s32 $0x180  }
0x14: {  	s8 =	sadd.s32 $0x800, s5;
	s9 =	sadd.s32 $0x1000, s5;
	s10 =	sadd.s32 $0x1800, s5  }
.LBB2_1:
0x15: {  	[spmem:s12], [sflag:s6] =	dma.local [hbm:s4], $0x600  }
0x16: {  	_ =	swait.ge [sflag:s13], $0x600  }
0x17: {  	[sflag:s13] =	ssyncset.done $0x0  }
0x18: {  	s29 =	simm.s32 $0x4000;
	[sflag:s13] =	ssyncadd.s32 $0xFFFFFA00  }
0x19: {  	[tilespmem:s3], [sflag:$0x3] =	stream.strided.gather [hbm4b:s7+s14], $0x600, s29, s14, $0x38;
	[tilespmem:$0x1B600] =	vst v63  }
0x1a: {  	_ =	swait.ge [sflag:s13], $0x600  }
0x1b: {  	[sflag:s13] =	ssyncset.done $0x0  }
0x1c: {  	[sflag:s13] =	ssyncadd.s32 $0xFFFFFA00  }
0x1d: {  	v0 =	vld [tilespmem:$0x200]  }
0x1e: {  	v1 =	vld [tilespmem:$0x400]  }
0x1f: {  	v2 =	vld [tilespmem:$0x210]  }
0x20: {  	v3 =	vld [tilespmem:$0x410]  }
0x21: {  	v4 =	vld [tilespmem:$0x220]  }
0x22: {  	v5 =	vld [tilespmem:$0x420];
	v0 =	vadd.s32 $0x3E8, v0  }
0x23: {  	[tilespmem:$0x200] =	vst v0;
	v0 =	vadd.s32 $0x7D0, v1;
	v1 =	vld [tilespmem:$0x230]  }
0x24: {  	[tilespmem:$0x400] =	vst v0;
	v0 =	vadd.s32 $0x3E8, v2;
	v2 =	vld [tilespmem:$0x430]  }
0x25: {  	[tilespmem:$0x210] =	vst v0;
	v0 =	vadd.s32 $0x7D0, v3;
	v3 =	vld [tilespmem:$0x240]  }
0x26: {  	v40 =	vld [tilespmem:$0x440];
	[tilespmem:$0x410] =	vst v0;
	v0 =	vadd.s32 $0x3E8, v4  }
0x27: {  	v41 =	vld [tilespmem:$0x250];
	[tilespmem:$0x220] =	vst v0;
	v0 =	vadd.s32 $0x7D0, v5  }
0x28: {  	[tilespmem:$0x420] =	vst v0;
	v0 =	vadd.s32 $0x3E8, v1;
	v1 =	vld [tilespmem:$0x450]  }
0x29: {  	[tilespmem:$0x230] =	vst v0;
	v0 =	vadd.s32 $0x7D0, v2;
	v2 =	vld [tilespmem:$0x260]  }
0x2a: {  	[tilespmem:$0x430] =	vst v0;
	v0 =	vadd.s32 $0x3E8, v3;
	v3 =	vld [tilespmem:$0x460]  }
0x2b: {  	v42 =	vld [tilespmem:$0x270];
	[tilespmem:$0x240] =	vst v0;
	v0 =	vadd.s32 $0x7D0, v40  }
0x2c: {  	v43 =	vld [tilespmem:$0x470];
	[tilespmem:$0x440] =	vst v0;
	v0 =	vadd.s32 $0x3E8, v41  }
0x2d: {  	[tilespmem:$0x250] =	vst v0;
	v0 =	vadd.s32 $0x7D0, v1;
	v1 =	vld [tilespmem:$0x280]  }
0x2e: {  	[tilespmem:$0x450] =	vst v0;
	v0 =	vadd.s32 $0x3E8, v2;
	v2 =	vld [tilespmem:$0x480]  }
0x2f: {  	[tilespmem:$0x260] =	vst v0;
	v0 =	vadd.s32 $0x7D0, v3;
	v3 =	vld [tilespmem:$0x290]  }
0x30: {  	v44 =	vld [tilespmem:$0x490];
	[tilespmem:$0x460] =	vst v0;
	v0 =	vadd.s32 $0x3E8, v42  }
0x31: {  	v45 =	vld [tilespmem:$0x2A0];
	[tilespmem:$0x270] =	vst v0;
	v0 =	vadd.s32 $0x7D0, v43  }
0x32: {  	[tilespmem:$0x470] =	vst v0;
	v0 =	vadd.s32 $0x3E8, v1;
	v1 =	vld [tilespmem:$0x4A0]  }
0x33: {  	[tilespmem:$0x280] =	vst v0;
	v0 =	vadd.s32 $0x7D0, v2;
	v2 =	vld [tilespmem:$0x2B0]  }
0x34: {  	[tilespmem:$0x480] =	vst v0;
	v0 =	vadd.s32 $0x3E8, v3;
	v3 =	vld [tilespmem:$0x4B0]  }
0x35: {  	v46 =	vld [tilespmem:$0x2C0];
	[tilespmem:$0x290] =	vst v0;
	v0 =	vadd.s32 $0x7D0, v44  }
0x36: {  	v47 =	vld [tilespmem:$0x4C0];
	[tilespmem:$0x490] =	vst v0;
	v0 =	vadd.s32 $0x3E8, v45  }
0x37: {  	[tilespmem:$0x2A0] =	vst v0;
	v0 =	vadd.s32 $0x7D0, v1;
	v1 =	vld [tilespmem:$0x2D0]  }
0x38: {  	[tilespmem:$0x4A0] =	vst v0;
	v0 =	vadd.s32 $0x3E8, v2;
	v2 =	vld [tilespmem:$0x4D0]  }
0x39: {  	[tilespmem:$0x2B0] =	vst v0;
	v0 =	vadd.s32 $0x7D0, v3;
	v3 =	vld [tilespmem:$0x2E0]  }
0x3a: {  	v48 =	vld [tilespmem:$0x4E0];
	[tilespmem:$0x4B0] =	vst v0;
	v0 =	vadd.s32 $0x3E8, v46  }
0x3b: {  	v49 =	vld [tilespmem:$0x2F0];
	[tilespmem:$0x2C0] =	vst v0;
	v0 =	vadd.s32 $0x7D0, v47  }
0x3c: {  	[tilespmem:$0x4C0] =	vst v0;
	v0 =	vadd.s32 $0x3E8, v1;
	v1 =	vld [tilespmem:$0x4F0]  }
0x3d: {  	[tilespmem:$0x2D0] =	vst v0;
	v0 =	vadd.s32 $0x7D0, v2;
	v2 =	vld [tilespmem:$0x300]  }
0x3e: {  	[tilespmem:$0x4D0] =	vst v0;
	v0 =	vadd.s32 $0x3E8, v3;
	v3 =	vld [tilespmem:$0x500]  }
0x3f: {  	v50 =	vld [tilespmem:$0x310];
	[tilespmem:$0x2E0] =	vst v0;
	v0 =	vadd.s32 $0x7D0, v48  }
0x40: {  	v51 =	vld [tilespmem:$0x510];
	[tilespmem:$0x4E0] =	vst v0;
	v0 =	vadd.s32 $0x3E8, v49  }
0x41: {  	[tilespmem:$0x2F0] =	vst v0;
	v0 =	vadd.s32 $0x7D0, v1;
	v1 =	vld [tilespmem:$0x320]  }
0x42: {  	[tilespmem:$0x4F0] =	vst v0;
	v0 =	vadd.s32 $0x3E8, v2;
	v2 =	vld [tilespmem:$0x520]  }
0x43: {  	[tilespmem:$0x300] =	vst v0;
	v0 =	vadd.s32 $0x7D0, v3;
	v3 =	vld [tilespmem:$0x330]  }
0x44: {  	v52 =	vld [tilespmem:$0x530];
	[tilespmem:$0x500] =	vst v0;
	v0 =	vadd.s32 $0x3E8, v50  }
0x45: {  	v53 =	vld [tilespmem:$0x340];
	[tilespmem:$0x310] =	vst v0;
	v0 =	vadd.s32 $0x7D0, v51  }
0x46: {  	[tilespmem:$0x510] =	vst v0;
	v0 =	vadd.s32 $0x3E8, v1;
	v1 =	vld [tilespmem:$0x540]  }
0x47: {  	[tilespmem:$0x320] =	vst v0;
	v0 =	vadd.s32 $0x7D0, v2;
	v2 =	vld [tilespmem:$0x350]  }
0x48: {  	[tilespmem:$0x520] =	vst v0;
	v0 =	vadd.s32 $0x3E8, v3;
	v3 =	vld [tilespmem:$0x550]  }
0x49: {  	v54 =	vld [tilespmem:$0x360];
	[tilespmem:$0x330] =	vst v0;
	v0 =	vadd.s32 $0x7D0, v52  }
0x4a: {  	v55 =	vld [tilespmem:$0x560];
	[tilespmem:$0x530] =	vst v0;
	v0 =	vadd.s32 $0x3E8, v53  }
0x4b: {  	[tilespmem:$0x340] =	vst v0;
	v0 =	vadd.s32 $0x7D0, v1;
	v1 =	vld [tilespmem:$0x370]  }
0x4c: {  	[tilespmem:$0x540] =	vst v0;
	v0 =	vadd.s32 $0x3E8, v2;
	v2 =	vld [tilespmem:$0x570]  }
0x4d: {  	[tilespmem:$0x350] =	vst v0;
	v0 =	vadd.s32 $0x7D0, v3;
	v3 =	vld [tilespmem:$0x380]  }
0x4e: {  	v56 =	vld [tilespmem:$0x580];
	[tilespmem:$0x550] =	vst v0;
	v0 =	vadd.s32 $0x3E8, v54  }
0x4f: {  	v57 =	vld [tilespmem:$0x390];
	[tilespmem:$0x360] =	vst v0;
	v0 =	vadd.s32 $0x7D0, v55  }
0x50: {  	[tilespmem:$0x560] =	vst v0;
	v0 =	vadd.s32 $0x3E8, v1;
	v1 =	vld [tilespmem:$0x590]  }
0x51: {  	[tilespmem:$0x370] =	vst v0;
	v0 =	vadd.s32 $0x7D0, v2;
	v2 =	vld [tilespmem:$0x3A0]  }
0x52: {  	[tilespmem:$0x570] =	vst v0;
	v0 =	vadd.s32 $0x3E8, v3;
	v3 =	vld [tilespmem:$0x5A0]  }
0x53: {  	v58 =	vld [tilespmem:$0x3B0];
	[tilespmem:$0x380] =	vst v0;
	v0 =	vadd.s32 $0x7D0, v56  }
0x54: {  	v59 =	vld [tilespmem:$0x5B0];
	[tilespmem:$0x580] =	vst v0;
	v0 =	vadd.s32 $0x3E8, v57  }
0x55: {  	[tilespmem:$0x390] =	vst v0;
	v0 =	vadd.s32 $0x7D0, v1;
	v1 =	vld [tilespmem:$0x3C0]  }
0x56: {  	[tilespmem:$0x590] =	vst v0;
	v0 =	vadd.s32 $0x3E8, v2;
	v2 =	vld [tilespmem:$0x5C0]  }
0x57: {  	[tilespmem:$0x3A0] =	vst v0;
	v0 =	vadd.s32 $0x7D0, v3;
	v3 =	vld [tilespmem:$0x3D0]  }
0x58: {  	v60 =	vld [tilespmem:$0x5D0];
	[tilespmem:$0x5A0] =	vst v0;
	v0 =	vadd.s32 $0x3E8, v58  }
0x59: {  	v61 =	vld [tilespmem:$0x3E0];
	[tilespmem:$0x3B0] =	vst v0;
	v0 =	vadd.s32 $0x7D0, v59  }
0x5a: {  	[tilespmem:$0x5B0] =	vst v0;
	v0 =	vadd.s32 $0x3E8, v1;
	v1 =	vld [tilespmem:$0x5E0]  }
0x5b: {  	[tilespmem:$0x3C0] =	vst v0;
	v0 =	vadd.s32 $0x7D0, v2;
	v2 =	vld [tilespmem:$0x3F0]  }
0x5c: {  	[tilespmem:$0x5C0] =	vst v0;
	v0 =	vadd.s32 $0x3E8, v3;
	v3 =	vld [tilespmem:$0x5F0]  }
0x5d: {  	[tilespmem:$0x3D0] =	vst v0;
	v0 =	vadd.s32 $0x7D0, v60  }
0x5e: {  	[tilespmem:$0x5D0] =	vst v0;
	v0 =	vadd.s32 $0x3E8, v61  }
0x5f: {  	[tilespmem:$0x3E0] =	vst v0;
	v0 =	vadd.s32 $0x7D0, v1  }
0x60: {  	[tilespmem:$0x5E0] =	vst v0;
	v0 =	vadd.s32 $0x3E8, v2  }
0x61: {  	[tilespmem:$0x3F0] =	vst v0;
	v0 =	vadd.s32 $0x7D0, v3  }
0x62: {  	[tilespmem:$0x5F0] =	vst v0  }
0x63: {  	[bflag:$0x0] =	sbarrier.arrive $0xFFFF  }
0x64: {  	[tilespmem:s17], [sflag:$0x1] =	stream.indirect.gather [spmem:s2], $0x40, s3, s16, $0xb8;
	[tilespmem:$0x1B600] =	vst v63  }
0x65: {  	s29 =	simm.s32 $0x8600  }
0x66: {  	[tilespmem:s29], [sflag:$0x1] =	stream.indirect.gather [spmem:s2], $0x40, s14, s16, $0xb8;
	[tilespmem:$0x1B600] =	vst v63  }
0x67: {  	s30 =	simm.s32 $0x10600;
	s29 =	simm.s32 $0x400  }
0x68: {  	[tilespmem:s30], [sflag:$0x1] =	stream.indirect.gather [spmem:s2], $0x40, s29, s16, $0xb8;
	[tilespmem:$0x1B600] =	vst v63  }
0x69: {  	_ = 	snop  }
0x6a: {  	[tilespmem:s21], [sflag:$0x1] =	stream.indirect.gather [spmem:s2], $0x40, s16, s16, $0xb8;
	[tilespmem:$0x1B600] =	vst v63  }
0x6b: {  	s29 =	simm.s32 $0x280;
	s30 =	simm.s32 $0xA600  }
0x6c: {  	[tilespmem:s30], [sflag:$0x1] =	stream.indirect.gather [spmem:s2], $0x40, s29, s16, $0xb8;
	[tilespmem:$0x1B600] =	vst v63  }
0x6d: {  	s29 =	simm.s32 $0x480;
	s30 =	simm.s32 $0x12600  }
0x6e: {  	[tilespmem:s30], [sflag:$0x1] =	stream.indirect.gather [spmem:s2], $0x40, s29, s16, $0xb8;
	[tilespmem:$0x1B600] =	vst v63  }
0x6f: {  	s29 =	simm.s32 $0x100  }
0x70: {  	[tilespmem:s28], [sflag:$0x1] =	stream.indirect.gather [spmem:s2], $0x40, s29, s16, $0xb8;
	[tilespmem:$0x1B600] =	vst v63  }
0x71: {  	s30 =	simm.s32 $0xC600;
	s29 =	simm.s32 $0x300  }
0x72: {  	[tilespmem:s30], [sflag:$0x1] =	stream.indirect.gather [spmem:s2], $0x40, s29, s16, $0xb8;
	[tilespmem:$0x1B600] =	vst v63  }
0x73: {  	s29 =	simm.s32 $0x500  }
0x74: {  	[tilespmem:s0], [sflag:$0x1] =	stream.indirect.gather [spmem:s2], $0x40, s29, s16, $0xb8;
	[tilespmem:$0x1B600] =	vst v63  }
0x75: {  	_ = 	snop  }
0x76: {  	[tilespmem:s15], [sflag:$0x1] =	stream.indirect.gather [spmem:s2], $0x40, s1, s16, $0xb8;
	[tilespmem:$0x1B600] =	vst v63  }
0x77: {  	_ = 	snop  }
0x78: {  	[tilespmem:s19], [sflag:$0x1] =	stream.indirect.gather [spmem:s2], $0x40, s18, s16, $0xb8;
	[tilespmem:$0x1B600] =	vst v63  }
0x79: {  	_ = 	snop  }
0x7a: {  	[tilespmem:s22], [sflag:$0x1] =	stream.indirect.gather [spmem:s2], $0x40, s20, s16, $0xb8;
	[tilespmem:$0x1B600] =	vst v63  }
0x7b: {  	_ =	swait.ge [sflag:s23], $0x2000  }
0x7c: {  	[sflag:s23] =	ssyncset.done $0x0  }
0x7d: {  	[sflag:s23] =	ssyncadd.s32 $0xFFFFE000  }
0x7e: {  	_ =	swait.ge [sflag:s23], $0x2000  }
0x7f: {  	[sflag:s23] =	ssyncset.done $0x0  }
0x80: {  	[sflag:s23] =	ssyncadd.s32 $0xFFFFE000  }
0x81: {  	_ =	swait.ge [sflag:s23], $0x2000  }
0x82: {  	[sflag:s23] =	ssyncset.done $0x0  }
0x83: {  	s29 =	simm.s32 $0x0;
	[sflag:s23] =	ssyncadd.s32 $0xFFFFE000  }
0x84: {  	v0 =	vld [tilespmem:s29+$0x8630]  }
0x85: {  	v1 =	vld [tilespmem:s29+$0x10630]  }
0x86: {  	v2 =	vld [tilespmem:s29+$0x8600]  }
0x87: {  	v3 =	vld [tilespmem:s29+$0x10600]  }
0x88: {  	v62 =	vld [tilespmem:s29+$0x8610]  }
0x89: {  	v63 =	vld [tilespmem:s29+$0x10610]  }
0x8a: {  	v6 =	vld [tilespmem:s29+$0x8620]  }
0x8b: {  	v7 =	vld [tilespmem:s29+$0x10620]  }
0x8c: {  	v0 =	vadd.f32 v1, v0  }
0x8d: {  	v1 =	vadd.f32 v3, v2  }
0x8e: {  	[tilespmem:s29+$0x630] =	vst.add.f32.msk $0xffff, v0  }
0x8f: {  	s30 =	simm.s32 $0x40;
	[tilespmem:s29+$0x600] =	vst.add.f32.msk $0xffff, v1  }
0x90: {  	s31 =	simm.s32 $0x200;
	v0 =	vadd.f32 v63, v62;
	v1 =	vadd.f32 v7, v6;
	v2 =	vld [tilespmem:s30+$0x8630]  }
.LBB2_2:
0x91: {  	p0 =	sne.s32 s31, $0x7F00;
	v3 =	vld [tilespmem:s30+$0x10630]  }
0x92: {  	v4 =	vld [tilespmem:s30+$0x8600]  }
0x93: {  	v5 =	vld [tilespmem:s30+$0x10600]  }
0x94: {  	v6 =	vld [tilespmem:s30+$0x8610]  }
0x95: {  	v7 =	vld [tilespmem:s30+$0x10610]  }
0x96: {  	v8 =	vld [tilespmem:s30+$0x8620];
	v2 =	vadd.f32 v3, v2  }
0x97: {  	v3 =	vld [tilespmem:s30+$0x10620]  }
.Ltmp0:
0x98: {  	v4 =	vadd.f32 v5, v4;
	[tilespmem:s30+$0x630] =	vst.add.f32.msk $0xffff, v2;
	(pc) =	sbr.rel @p0 .LBB2_2-.Ltmp0, $4  }
0x99: {  	[tilespmem:s29+$0x610] =	vst.add.f32.msk $0xffff, v0  }
0x9a: {  	[tilespmem:s30+$0x600] =	vst.add.f32.msk $0xffff, v4;
	v0 =	vadd.f32 v7, v6  }
0x9b: {  	[tilespmem:s29+$0x620] =	vst.add.f32.msk $0xffff, v1;
	s29 =	smov.u32 s30;
	s30 =	sshra.s32 s31, $0x2  }
0x9c: {  	s31 =	sadd.s32 $0x100, s31;
	v2 =	vld [tilespmem:s30+$0x8630];
	v1 =	vadd.f32 v3, v8  }
0x9d: {  	v3 =	vld [tilespmem:s30+$0x10630]  }
0x9e: {  	v4 =	vld [tilespmem:s30+$0x8600]  }
0x9f: {  	v5 =	vld [tilespmem:s30+$0x10600]  }
0xa0: {  	v6 =	vld [tilespmem:s30+$0x8610]  }
0xa1: {  	v7 =	vld [tilespmem:s30+$0x10610]  }
0xa2: {  	v8 =	vld [tilespmem:s30+$0x8620]  }
0xa3: {  	v2 =	vadd.f32 v3, v2;
	v3 =	vld [tilespmem:s30+$0x10620];
	_ =	sdelay $0x1  }
0xa4: {  	v4 =	vadd.f32 v5, v4;
	[tilespmem:s30+$0x630] =	vst.add.f32.msk $0xffff, v2  }
0xa5: {  	[tilespmem:s29+$0x610] =	vst.add.f32.msk $0xffff, v0  }
0xa6: {  	v0 =	vadd.f32 v7, v6;
	[tilespmem:s30+$0x600] =	vst.add.f32.msk $0xffff, v4  }
0xa7: {  	[tilespmem:s29+$0x620] =	vst.add.f32.msk $0xffff, v1;
	v1 =	vadd.f32 v3, v8  }
0xa8: {  	[tilespmem:s30+$0x610] =	vst.add.f32.msk $0xffff, v0  }
0xa9: {  	[tilespmem:s30+$0x620] =	vst.add.f32.msk $0xffff, v1  }
0xaa: {  	[hbm4b:s5+s24] =	stream.strided.scatter [tilespmem:s17], [sflag:$0x2], $0x2000, s16, s24, $0x38;
	[tilespmem:$0x1B600] =	vst v63  }
0xab: {  	_ =	swait.ge [sflag:s23], $0x2000  }
0xac: {  	[sflag:s23] =	ssyncset.done $0x0  }
0xad: {  	[sflag:s23] =	ssyncadd.s32 $0xFFFFE000  }
0xae: {  	_ =	swait.ge [sflag:s23], $0x2000  }
0xaf: {  	[sflag:s23] =	ssyncset.done $0x0  }
0xb0: {  	[sflag:s23] =	ssyncadd.s32 $0xFFFFE000  }
0xb1: {  	_ =	swait.ge [sflag:s23], $0x2000  }
0xb2: {  	[sflag:s23] =	ssyncset.done $0x0  }
0xb3: {  	s29 =	simm.s32 $0x0;
	[sflag:s23] =	ssyncadd.s32 $0xFFFFE000  }
0xb4: {  	v0 =	vld [tilespmem:s29+$0xA630]  }
0xb5: {  	v1 =	vld [tilespmem:s29+$0x12630]  }
0xb6: {  	v2 =	vld [tilespmem:s29+$0xA600]  }
0xb7: {  	v3 =	vld [tilespmem:s29+$0x12600]  }
0xb8: {  	v60 =	vld [tilespmem:s29+$0xA610]  }
0xb9: {  	v61 =	vld [tilespmem:s29+$0x12610]  }
0xba: {  	v62 =	vld [tilespmem:s29+$0xA620]  }
0xbb: {  	v63 =	vld [tilespmem:s29+$0x12620]  }
0xbc: {  	v0 =	vadd.f32 v1, v0  }
0xbd: {  	v1 =	vadd.f32 v3, v2  }
0xbe: {  	[tilespmem:s29+$0x2630] =	vst.add.f32.msk $0xffff, v0  }
0xbf: {  	s30 =	simm.s32 $0x40;
	[tilespmem:s29+$0x2600] =	vst.add.f32.msk $0xffff, v1  }
0xc0: {  	s31 =	simm.s32 $0x200;
	v0 =	vadd.f32 v61, v60;
	v1 =	vadd.f32 v63, v62;
	v2 =	vld [tilespmem:s30+$0xA630]  }
.LBB2_4:
0xc1: {  	p0 =	sne.s32 s31, $0x7F00;
	v3 =	vld [tilespmem:s30+$0x12630]  }
0xc2: {  	v4 =	vld [tilespmem:s30+$0xA600]  }
0xc3: {  	v5 =	vld [tilespmem:s30+$0x12600]  }
0xc4: {  	v6 =	vld [tilespmem:s30+$0xA610]  }
0xc5: {  	v7 =	vld [tilespmem:s30+$0x12610]  }
0xc6: {  	v8 =	vld [tilespmem:s30+$0xA620];
	v2 =	vadd.f32 v3, v2  }
0xc7: {  	v3 =	vld [tilespmem:s30+$0x12620]  }
.Ltmp1:
0xc8: {  	v4 =	vadd.f32 v5, v4;
	[tilespmem:s30+$0x2630] =	vst.add.f32.msk $0xffff, v2;
	(pc) =	sbr.rel @p0 .LBB2_4-.Ltmp1, $4  }
0xc9: {  	[tilespmem:s29+$0x2610] =	vst.add.f32.msk $0xffff, v0  }
0xca: {  	[tilespmem:s30+$0x2600] =	vst.add.f32.msk $0xffff, v4;
	v0 =	vadd.f32 v7, v6  }
0xcb: {  	[tilespmem:s29+$0x2620] =	vst.add.f32.msk $0xffff, v1;
	s29 =	smov.u32 s30;
	s30 =	sshra.s32 s31, $0x2  }
0xcc: {  	s31 =	sadd.s32 $0x100, s31;
	v2 =	vld [tilespmem:s30+$0xA630];
	v1 =	vadd.f32 v3, v8  }
0xcd: {  	v3 =	vld [tilespmem:s30+$0x12630]  }
0xce: {  	v4 =	vld [tilespmem:s30+$0xA600]  }
0xcf: {  	v5 =	vld [tilespmem:s30+$0x12600]  }
0xd0: {  	v6 =	vld [tilespmem:s30+$0xA610]  }
0xd1: {  	v7 =	vld [tilespmem:s30+$0x12610]  }
0xd2: {  	v8 =	vld [tilespmem:s30+$0xA620]  }
0xd3: {  	v2 =	vadd.f32 v3, v2;
	v3 =	vld [tilespmem:s30+$0x12620];
	_ =	sdelay $0x1  }
0xd4: {  	v4 =	vadd.f32 v5, v4;
	[tilespmem:s30+$0x2630] =	vst.add.f32.msk $0xffff, v2  }
0xd5: {  	[tilespmem:s29+$0x2610] =	vst.add.f32.msk $0xffff, v0  }
0xd6: {  	v0 =	vadd.f32 v7, v6;
	[tilespmem:s30+$0x2600] =	vst.add.f32.msk $0xffff, v4  }
0xd7: {  	[tilespmem:s29+$0x2620] =	vst.add.f32.msk $0xffff, v1;
	v1 =	vadd.f32 v3, v8  }
0xd8: {  	[tilespmem:s30+$0x2610] =	vst.add.f32.msk $0xffff, v0  }
0xd9: {  	[tilespmem:s30+$0x2620] =	vst.add.f32.msk $0xffff, v1  }
0xda: {  	[hbm4b:s8+s24] =	stream.strided.scatter [tilespmem:s21], [sflag:$0x2], $0x2000, s16, s24, $0x38;
	[tilespmem:$0x1B600] =	vst v63  }
0xdb: {  	_ =	swait.ge [sflag:s23], $0x2000  }
0xdc: {  	[sflag:s23] =	ssyncset.done $0x0  }
0xdd: {  	[sflag:s23] =	ssyncadd.s32 $0xFFFFE000  }
0xde: {  	_ =	swait.ge [sflag:s23], $0x2000  }
0xdf: {  	[sflag:s23] =	ssyncset.done $0x0  }
0xe0: {  	[sflag:s23] =	ssyncadd.s32 $0xFFFFE000  }
0xe1: {  	_ =	swait.ge [sflag:s23], $0x2000  }
0xe2: {  	[sflag:s23] =	ssyncset.done $0x0  }
0xe3: {  	s29 =	simm.s32 $0x0;
	[sflag:s23] =	ssyncadd.s32 $0xFFFFE000  }
0xe4: {  	v0 =	vld [tilespmem:s29+$0xC630]  }
0xe5: {  	v1 =	vld [tilespmem:s29+$0x14630]  }
0xe6: {  	v2 =	vld [tilespmem:s29+$0xC600]  }
0xe7: {  	v3 =	vld [tilespmem:s29+$0x14600]  }
0xe8: {  	v60 =	vld [tilespmem:s29+$0xC610]  }
0xe9: {  	v61 =	vld [tilespmem:s29+$0x14610]  }
0xea: {  	v62 =	vld [tilespmem:s29+$0xC620]  }
0xeb: {  	v63 =	vld [tilespmem:s29+$0x14620]  }
0xec: {  	v0 =	vadd.f32 v1, v0  }
0xed: {  	v1 =	vadd.f32 v3, v2  }
0xee: {  	[tilespmem:s29+$0x4630] =	vst.add.f32.msk $0xffff, v0  }
0xef: {  	s30 =	simm.s32 $0x40;
	[tilespmem:s29+$0x4600] =	vst.add.f32.msk $0xffff, v1  }
0xf0: {  	s31 =	simm.s32 $0x200;
	v0 =	vadd.f32 v61, v60;
	v1 =	vadd.f32 v63, v62;
	v2 =	vld [tilespmem:s30+$0xC630]  }
.LBB2_6:
0xf1: {  	p0 =	sne.s32 s31, $0x7F00;
	v3 =	vld [tilespmem:s30+$0x14630]  }
0xf2: {  	v4 =	vld [tilespmem:s30+$0xC600]  }
0xf3: {  	v5 =	vld [tilespmem:s30+$0x14600]  }
0xf4: {  	v6 =	vld [tilespmem:s30+$0xC610]  }
0xf5: {  	v7 =	vld [tilespmem:s30+$0x14610]  }
0xf6: {  	v8 =	vld [tilespmem:s30+$0xC620];
	v2 =	vadd.f32 v3, v2  }
0xf7: {  	v3 =	vld [tilespmem:s30+$0x14620]  }
.Ltmp2:
0xf8: {  	v4 =	vadd.f32 v5, v4;
	[tilespmem:s30+$0x4630] =	vst.add.f32.msk $0xffff, v2;
	(pc) =	sbr.rel @p0 .LBB2_6-.Ltmp2, $4  }
0xf9: {  	[tilespmem:s29+$0x4610] =	vst.add.f32.msk $0xffff, v0  }
0xfa: {  	[tilespmem:s30+$0x4600] =	vst.add.f32.msk $0xffff, v4;
	v0 =	vadd.f32 v7, v6  }
0xfb: {  	[tilespmem:s29+$0x4620] =	vst.add.f32.msk $0xffff, v1;
	s29 =	smov.u32 s30;
	s30 =	sshra.s32 s31, $0x2  }
0xfc: {  	s31 =	sadd.s32 $0x100, s31;
	v2 =	vld [tilespmem:s30+$0xC630];
	v1 =	vadd.f32 v3, v8  }
0xfd: {  	v3 =	vld [tilespmem:s30+$0x14630]  }
0xfe: {  	v4 =	vld [tilespmem:s30+$0xC600]  }
0xff: {  	v5 =	vld [tilespmem:s30+$0x14600]  }
0x100: {  	v6 =	vld [tilespmem:s30+$0xC610]  }
0x101: {  	v7 =	vld [tilespmem:s30+$0x14610]  }
0x102: {  	v8 =	vld [tilespmem:s30+$0xC620]  }
0x103: {  	v2 =	vadd.f32 v3, v2;
	v3 =	vld [tilespmem:s30+$0x14620];
	_ =	sdelay $0x1  }
0x104: {  	v4 =	vadd.f32 v5, v4;
	[tilespmem:s30+$0x4630] =	vst.add.f32.msk $0xffff, v2  }
0x105: {  	[tilespmem:s29+$0x4610] =	vst.add.f32.msk $0xffff, v0  }
0x106: {  	v0 =	vadd.f32 v7, v6;
	[tilespmem:s30+$0x4600] =	vst.add.f32.msk $0xffff, v4  }
0x107: {  	[tilespmem:s29+$0x4620] =	vst.add.f32.msk $0xffff, v1;
	v1 =	vadd.f32 v3, v8  }
0x108: {  	[tilespmem:s30+$0x4610] =	vst.add.f32.msk $0xffff, v0  }
0x109: {  	[tilespmem:s30+$0x4620] =	vst.add.f32.msk $0xffff, v1  }
0x10a: {  	[hbm4b:s9+s24] =	stream.strided.scatter [tilespmem:s28], [sflag:$0x2], $0x2000, s16, s24, $0x38;
	[tilespmem:$0x1B600] =	vst v63  }
0x10b: {  	_ =	swait.ge [sflag:s23], $0x2000  }
0x10c: {  	[sflag:s23] =	ssyncset.done $0x0  }
0x10d: {  	[sflag:s23] =	ssyncadd.s32 $0xFFFFE000  }
0x10e: {  	_ =	swait.ge [sflag:s23], $0x2000  }
0x10f: {  	[sflag:s23] =	ssyncset.done $0x0  }
0x110: {  	[sflag:s23] =	ssyncadd.s32 $0xFFFFE000  }
0x111: {  	_ =	swait.ge [sflag:s23], $0x2000  }
0x112: {  	[sflag:s23] =	ssyncset.done $0x0  }
0x113: {  	s29 =	simm.s32 $0x0;
	[sflag:s23] =	ssyncadd.s32 $0xFFFFE000  }
0x114: {  	v0 =	vld [tilespmem:s29+$0xE630]  }
0x115: {  	v1 =	vld [tilespmem:s29+$0x16630]  }
0x116: {  	v2 =	vld [tilespmem:s29+$0xE600]  }
0x117: {  	v3 =	vld [tilespmem:s29+$0x16600]  }
0x118: {  	v60 =	vld [tilespmem:s29+$0xE610]  }
0x119: {  	v61 =	vld [tilespmem:s29+$0x16610]  }
0x11a: {  	v62 =	vld [tilespmem:s29+$0xE620]  }
0x11b: {  	v63 =	vld [tilespmem:s29+$0x16620]  }
0x11c: {  	v0 =	vadd.f32 v1, v0  }
0x11d: {  	v1 =	vadd.f32 v3, v2  }
0x11e: {  	[tilespmem:s29+$0x6630] =	vst.add.f32.msk $0xffff, v0  }
0x11f: {  	s30 =	simm.s32 $0x40;
	[tilespmem:s29+$0x6600] =	vst.add.f32.msk $0xffff, v1  }
0x120: {  	s31 =	simm.s32 $0x200;
	v0 =	vadd.f32 v61, v60;
	v1 =	vadd.f32 v63, v62;
	v2 =	vld [tilespmem:s30+$0xE630]  }
.LBB2_8:
0x121: {  	p0 =	sne.s32 s31, $0x7F00;
	v3 =	vld [tilespmem:s30+$0x16630]  }
0x122: {  	v4 =	vld [tilespmem:s30+$0xE600]  }
0x123: {  	v5 =	vld [tilespmem:s30+$0x16600]  }
0x124: {  	v6 =	vld [tilespmem:s30+$0xE610]  }
0x125: {  	v7 =	vld [tilespmem:s30+$0x16610]  }
0x126: {  	v8 =	vld [tilespmem:s30+$0xE620];
	v2 =	vadd.f32 v3, v2  }
0x127: {  	v3 =	vld [tilespmem:s30+$0x16620]  }
.Ltmp3:
0x128: {  	v4 =	vadd.f32 v5, v4;
	[tilespmem:s30+$0x6630] =	vst.add.f32.msk $0xffff, v2;
	(pc) =	sbr.rel @p0 .LBB2_8-.Ltmp3, $4  }
0x129: {  	[tilespmem:s29+$0x6610] =	vst.add.f32.msk $0xffff, v0  }
0x12a: {  	[tilespmem:s30+$0x6600] =	vst.add.f32.msk $0xffff, v4;
	v0 =	vadd.f32 v7, v6  }
0x12b: {  	[tilespmem:s29+$0x6620] =	vst.add.f32.msk $0xffff, v1;
	s29 =	smov.u32 s30;
	s30 =	sshra.s32 s31, $0x2  }
0x12c: {  	s31 =	sadd.s32 $0x100, s31;
	v2 =	vld [tilespmem:s30+$0xE630];
	v1 =	vadd.f32 v3, v8  }
0x12d: {  	v3 =	vld [tilespmem:s30+$0x16630]  }
0x12e: {  	v4 =	vld [tilespmem:s30+$0xE600]  }
0x12f: {  	v5 =	vld [tilespmem:s30+$0x16600]  }
0x130: {  	v6 =	vld [tilespmem:s30+$0xE610]  }
0x131: {  	v7 =	vld [tilespmem:s30+$0x16610]  }
0x132: {  	v8 =	vld [tilespmem:s30+$0xE620]  }
0x133: {  	v61 =	vld [tilespmem:s30+$0x16620];
	v2 =	vadd.f32 v3, v2;
	_ =	sdelay $0x1  }
0x134: {  	v4 =	vadd.f32 v5, v4;
	[tilespmem:s30+$0x6630] =	vst.add.f32.msk $0xffff, v2  }
0x135: {  	[tilespmem:s29+$0x6610] =	vst.add.f32.msk $0xffff, v0  }
0x136: {  	v62 =	vadd.f32 v7, v6;
	[tilespmem:s30+$0x6600] =	vst.add.f32.msk $0xffff, v4  }
0x137: {  	v63 =	vadd.f32 v61, v8;
	[tilespmem:s29+$0x6620] =	vst.add.f32.msk $0xffff, v1  }
0x138: {  	[tilespmem:s30+$0x6610] =	vst.add.f32.msk $0xffff, v62  }
0x139: {  	[tilespmem:s30+$0x6620] =	vst.add.f32.msk $0xffff, v63  }
0x13a: {  	[hbm4b:s10+s24] =	stream.strided.scatter [tilespmem:s15], [sflag:$0x2], $0x2000, s16, s24, $0x38;
	[tilespmem:$0x1B600] =	vst v63  }
0x13b: {  	_ =	swait.ge [sflag:s25], $0x2000  }
0x13c: {  	[sflag:s25] =	ssyncset.done $0x0  }
0x13d: {  	[sflag:s25] =	ssyncadd.s32 $0xFFFFE000  }
0x13e: {  	_ =	swait.ge [sflag:s25], $0x2000  }
0x13f: {  	[sflag:s25] =	ssyncset.done $0x0  }
0x140: {  	s26 =	sadd.s32 $0x1, s26;
	[sflag:s25] =	ssyncadd.s32 $0xFFFFE000  }
0x141: {  	p0 =	sne.s32 s26, s11;
	_ =	swait.ge [sflag:s25], $0x2000  }
.Ltmp4:
0x142: {  	[sflag:s25] =	ssyncset.done $0x0;
	(pc) =	sbr.rel @p0 .LBB2_1-.Ltmp4, $4  }
0x143: {  	[sflag:s25] =	ssyncadd.s32 $0xFFFFE000  }
0x144: {  	_ =	swait.ge [sflag:s25], $0x2000  }
0x145: {  	[sflag:s25] =	ssyncset.done $0x0  }
0x146: {  	[sflag:s25] =	ssyncadd.s32 $0xFFFFE000  }
0x147: {  	_ =	sfence.sel $0x180000  }
0x148: {  	[bflag:$0x0] =	sbarrier.arrive $0xFFFF  }
0x149: {  	_ =	strace $0x90000047  }
0x14a: {  	s0 =	stileid.u32;
	[bflag:$0x2] =	sbarrier.arrive $0xFFFF  }
0x14b: {  	p0 =	sne.s32 s0, $0x0;
	s0 =	rddreg [dreg:$0x3]  }
0x14c: {  	s0 =	sadd.s32 @!p0 $0x100000, s0  }
0x14d: {  	[sflag:s0] =	ssyncadd.tile.s32 @!p0 $0x1;
	_ =	shalt  }
.Lfunc_end2:
_tile_overlayer_lowered:
.L_overlay_start_2:
0x14e: {  	(tag) =	ssettag $0x2  }
0x14f: {  	s0 =	rddreg [dreg:$0x0];
	s2 =	stileid.u32  }
0x150: {  	s1 =	rddreg [dreg:$0x1];
	p0 =	sne.s32 s2, $0x0  }
0x151: {  	s3 =	rddreg [dreg:$0x2];
	[bflag:$0x3] =	sbarrier.arrive $0xFFFF;
	s2 =	simm.s32 @!p0 $0x1C03  }
0x152: {  	[timem:s3], [sflag:s2] =	dma.local @!p0 [hbm:s0], s1  }
0x153: {  	s0 =	simm.s32 @!p0 $0x3  }
0x154: {  	_ =	swait.ge @!p0 [sflag:s0], s1  }
0x155: {  	s1 =	ssub.s32 @!p0 $0x0, s1;
	[sflag:s0] =	ssyncset.done @!p0 $0x0  }
0x156: {  	[sflag:s0] =	ssyncadd.s32 @!p0 s1  }
0x157: {  	[bflag:$0x3] =	sbarrier.arrive $0xFFFF  }
0x158: {  	_ =	shalt  }

</sc_bundles>
